<compile_context>
chip_gen: v7x
topology: tpu7x:2x2x1
jax: 0.10.2.dev20260603
libtpu: 0.0.44.dev20260713+nightly
codegen_flags: <defaults>
</compile_context>

<pallas_src>
import functools

import jax
import jax.numpy as jnp
from jax import lax
from jax.experimental import pallas as pl
from jax.experimental.pallas import tpu as pltpu
from jax.experimental.pallas import tpu_sc as plsc

N = 10000
E = 320000
D_IN = 128
D_H = 64

NC = 2
NS = 16
NW = NC * NS
CH = 80
NCHUNK = 125
NBUF = 5
NP = 10240
RPP = NP // NS

_mesh = plsc.VectorSubcoreMesh(core_axis_name="c", subcore_axis_name="s")


@functools.partial(
    pl.kernel,
    out_type=jax.ShapeDtypeStruct((NC * NP,), jnp.float32),
    mesh=_mesh,
    scratch_types=[
        pltpu.VMEM((NCHUNK, CH), jnp.int32),
        pltpu.VMEM((CH,), jnp.float32),
        pltpu.VMEM_SHARED((NP,), jnp.float32),
        pltpu.SemaphoreType.DMA,
    ],
)
def _deg_kernel(dst_hbm, zeros_hbm, out_hbm, dst_v, ones_v, acc_sh, sem):
    c = lax.axis_index("c")
    s = lax.axis_index("s")
    wid = c * NS + s

    @pl.when(s == 0)
    def _():
        pltpu.sync_copy(zeros_hbm, acc_sh)
    for k in range(CH // 16):
        ones_v[pl.ds(16 * k, 16)] = jnp.ones((16,), jnp.float32)
    pltpu.sync_copy(dst_hbm.at[wid], dst_v)
    plsc.subcore_barrier()

    def fire(j, carry):
        pltpu.async_copy(ones_v, acc_sh.at[dst_v.at[j]], sem, add=True)
        return carry

    lax.fori_loop(0, NCHUNK, fire, 0)

    def drain(j, carry):
        pltpu.make_async_copy(ones_v, acc_sh.at[dst_v.at[j]], sem).wait()
        return carry

    lax.fori_loop(0, NCHUNK, drain, 0)
    plsc.subcore_barrier()

    @pl.when(s == 0)
    def _():
        pltpu.sync_copy(acc_sh, out_hbm.at[pl.ds(c * NP, NP)])


@functools.partial(
    pl.kernel,
    out_type=jax.ShapeDtypeStruct((NC * NP, D_H), jnp.float32),
    mesh=_mesh,
    scratch_types=[
        pltpu.VMEM((NCHUNK, CH), jnp.int32),
        pltpu.VMEM((NCHUNK, CH), jnp.int32),
        pltpu.VMEM((CH, D_H), jnp.float32),
        pltpu.VMEM((CH, D_H), jnp.float32),
        pltpu.VMEM((CH, D_H), jnp.float32),
        pltpu.VMEM((CH, D_H), jnp.float32),
        pltpu.VMEM((CH, D_H), jnp.float32),
        pltpu.VMEM_SHARED((NP, D_H), jnp.float32),
        pltpu.SemaphoreType.DMA,
        pltpu.SemaphoreType.DMA,
        pltpu.SemaphoreType.DMA,
        pltpu.SemaphoreType.DMA,
        pltpu.SemaphoreType.DMA,
    ],
    compiler_params=pltpu.CompilerParams(use_tc_tiling_on_sc=False),
)
def _agg_kernel(g_hbm, src_hbm, dst_hbm, zeros_hbm, out_hbm,
                src_v, dst_v, r0, r1, r2, r3, r4, acc_sh,
                s0, s1, s2, s3, s4):
    c = lax.axis_index("c")
    s = lax.axis_index("s")
    wid = c * NS + s
    rows = (r0, r1, r2, r3, r4)
    sems = (s0, s1, s2, s3, s4)

    pltpu.sync_copy(zeros_hbm.at[pl.ds(s * RPP, RPP)],
                    acc_sh.at[pl.ds(s * RPP, RPP)])
    pltpu.sync_copy(src_hbm.at[wid], src_v)
    pltpu.sync_copy(dst_hbm.at[wid], dst_v)
    for b in range(NBUF):
        pltpu.async_copy(g_hbm.at[src_v.at[b]], rows[b], sems[b])
    plsc.subcore_barrier()

    def body(jj, carry):
        j0 = jj * NBUF
        for b in range(NBUF):
            j = j0 + b
            pltpu.make_async_copy(g_hbm.at[src_v.at[j]], rows[b], sems[b]).wait()
            pltpu.sync_copy(rows[b], acc_sh.at[dst_v.at[j]], add=True)

            @pl.when(j + NBUF < NCHUNK)
            def _():
                pltpu.async_copy(g_hbm.at[src_v.at[j + NBUF]], rows[b], sems[b])
        return carry

    lax.fori_loop(0, NCHUNK // NBUF, body, 0)
    plsc.subcore_barrier()

    pltpu.sync_copy(acc_sh.at[pl.ds(s * RPP, RPP)],
                    out_hbm.at[pl.ds(c * NP + s * RPP, RPP)])


def _tc1_body(degp_ref, x_ref, w1_ref, g_ref, dinv_ref):
    deg = 1.0 + degp_ref[0] + degp_ref[1]
    dinv = lax.rsqrt(deg)
    h = jnp.dot(x_ref[...], w1_ref[...], preferred_element_type=jnp.float32)
    g_ref[...] = h * dinv
    dinv_ref[...] = dinv


def _tc2_body(sp_ref, g_ref, dinv_ref, w2_ref, b1_ref, g2_ref):
    ssum = sp_ref[0] + sp_ref[1] + g_ref[...]
    h = jnp.maximum(ssum * dinv_ref[...] + b1_ref[...], 0.0)
    h2 = jnp.dot(h, w2_ref[...], preferred_element_type=jnp.float32)
    g2_ref[...] = h2 * dinv_ref[...]


def _tc3_body(sp_ref, g_ref, dinv_ref, b2_ref, wfc_ref, bfc_ref, o_ref):
    ssum = sp_ref[0] + sp_ref[1] + g_ref[...]
    h = jnp.maximum(ssum * dinv_ref[...] + b2_ref[...], 0.0)
    z = jnp.dot(h, wfc_ref[...], preferred_element_type=jnp.float32)
    o_ref[...] = jax.nn.sigmoid(z + bfc_ref[...])


_tc1 = pl.pallas_call(
    _tc1_body,
    out_shape=(jax.ShapeDtypeStruct((N, D_H), jnp.float32),
               jax.ShapeDtypeStruct((N, 1), jnp.float32)),
)
_tc2 = pl.pallas_call(
    _tc2_body,
    out_shape=jax.ShapeDtypeStruct((N, D_H), jnp.float32),
)
_tc3 = pl.pallas_call(
    _tc3_body,
    out_shape=jax.ShapeDtypeStruct((N, 1), jnp.float32),
)


def kernel(x, edge_index, W1, b1, W2, b2, Wfc, bfc):
    src = edge_index[0].reshape(NW, NCHUNK, CH)
    dst = edge_index[1].reshape(NW, NCHUNK, CH)
    zeros_n = jnp.zeros((NP,), jnp.float32)
    zeros_nd = jnp.zeros((NP, D_H), jnp.float32)

    degp = _deg_kernel(dst, zeros_n).reshape(NC, NP)[:, :N]
    g1, dinv = _tc1(degp.reshape(NC, N, 1), x, W1)
    s1 = _agg_kernel(g1, src, dst, zeros_nd).reshape(NC, NP, D_H)[:, :N]
    g2 = _tc2(s1, g1, dinv, W2, b1.reshape(1, D_H))
    s2 = _agg_kernel(g2, src, dst, zeros_nd).reshape(NC, NP, D_H)[:, :N]
    out = _tc3(s2, g2, dinv, b2.reshape(1, D_H), Wfc, bfc.reshape(1, 1))
    return out

# --- scband reference (transcript-rebuilt; emitter-appended) ---
"""Pipeline reference for scband-gnnmodel-24936580121235 (READ-ONLY COPY).

The authoritative reference and input builder live on the scoring server;
editing this copy changes nothing except your own understanding.
"""

import jax, jax.numpy as jnp
import numpy as np

N = 10000
E = 320000
D_IN = 128
D_H = 64
D_OUT = 1


def setup_inputs(seed: int = 0) -> dict:
    key = jax.random.key(seed)
    ks = jax.random.split(key, 8)
    x = jax.random.normal(ks[0], (N, D_IN), dtype=jnp.float32)
    edge_index = jax.random.randint(ks[1], (2, E), 0, N, dtype=jnp.int32)
    W1 = jax.random.normal(ks[2], (D_IN, D_H), dtype=jnp.float32) * 0.05
    b1 = jnp.zeros((D_H,), dtype=jnp.float32)
    W2 = jax.random.normal(ks[3], (D_H, D_H), dtype=jnp.float32) * 0.05
    b2 = jnp.zeros((D_H,), dtype=jnp.float32)
    Wfc = jax.random.normal(ks[4], (D_H, D_OUT), dtype=jnp.float32) * 0.05
    bfc = jnp.zeros((D_OUT,), dtype=jnp.float32)
    return {"x": x, "edge_index": edge_index, "W1": W1, "b1": b1, "W2": W2, "b2": b2, "Wfc": Wfc, "bfc": bfc}


def _gcn_conv(x, edge_index, W, b):
    # PyG GCNConv: add self-loops, symmetric normalization D^-1/2 (A+I) D^-1/2 X W + b
    loop = jnp.arange(N, dtype=edge_index.dtype)
    src = jnp.concatenate([edge_index[0], loop])
    dst = jnp.concatenate([edge_index[1], loop])
    deg = jnp.zeros((N,), dtype=x.dtype).at[dst].add(1.0)
    deg_inv_sqrt = jnp.where(deg > 0, 1.0 / jnp.sqrt(deg), 0.0)
    norm = deg_inv_sqrt[src] * deg_inv_sqrt[dst]
    h = x @ W
    msg = h[src] * norm[:, None]
    out = jnp.zeros((N, W.shape[1]), dtype=x.dtype).at[dst].add(msg)
    return out + b


def reference(x, edge_index, W1, b1, W2, b2, Wfc, bfc):
    h = jax.nn.relu(_gcn_conv(x, edge_index, W1, b1))
    # dropout p=0.2 is identity in eval mode
    h = jax.nn.relu(_gcn_conv(h, edge_index, W2, b2))
    out = h @ Wfc + bfc
    return jax.nn.sigmoid(out)

if __name__ == "__main__":
    import jax
    _d = setup_inputs()
    print(jax.jit(kernel)(*tuple(_d.values())))

</pallas_src>

<mosaic_0001>
#map = affine_map<(d0, d1) -> (0, 0)>
#map1 = affine_map<(d0, d1) -> (0, 0, 0)>
module attributes {stable_mosaic.version = 14 : i64} {
  func.func @_agg_kernel(%arg0: i32, %arg1: i32, %arg2: memref<10000x64xf32, #tpu.memory_space<hbm>>, %arg3: memref<32x125x80xi32, #tpu.memory_space<hbm>>, %arg4: memref<32x125x80xi32, #tpu.memory_space<hbm>>, %arg5: memref<10240x64xf32, #tpu.memory_space<hbm>>, %arg6: memref<20480x64xf32, #tpu.memory_space<hbm>>, %arg7: memref<125x80xi32, #tpu.memory_space<vmem>>, %arg8: memref<125x80xi32, #tpu.memory_space<vmem>>, %arg9: memref<80x64xf32, #tpu.memory_space<vmem>>, %arg10: memref<80x64xf32, #tpu.memory_space<vmem>>, %arg11: memref<80x64xf32, #tpu.memory_space<vmem>>, %arg12: memref<80x64xf32, #tpu.memory_space<vmem>>, %arg13: memref<80x64xf32, #tpu.memory_space<vmem>>, %arg14: memref<10240x64xf32, #tpu.memory_space<vmem_shared>>, %arg15: memref<!tpu.dma_semaphore, #tpu.memory_space<semaphore_mem>>, %arg16: memref<!tpu.dma_semaphore, #tpu.memory_space<semaphore_mem>>, %arg17: memref<!tpu.dma_semaphore, #tpu.memory_space<semaphore_mem>>, %arg18: memref<!tpu.dma_semaphore, #tpu.memory_space<semaphore_mem>>, %arg19: memref<!tpu.dma_semaphore, #tpu.memory_space<semaphore_mem>>) attributes {dimension_semantics = [#tpu.dimension_semantics<core_parallel>, #tpu.dimension_semantics<subcore_parallel>], iteration_bounds = array<i64: 2, 16>, scalar_prefetch = 0 : i64, scratch_operands = 13 : i64, tpu.core_type = #tpu.core_type<sc_vector_subcore>, window_params = [{transform_indices = #map}, {transform_indices = #map1}, {transform_indices = #map1}, {transform_indices = #map}, {transform_indices = #map}]} {
    %mul3A = arith.constant 16 : i32
    %mul3A_0 = arith.muli %arg0, %mul3A : i32
    %add3A = arith.addi %mul3A_0, %arg1 : i32
    %mul3A_1 = arith.constant 640 : i32
    %mul3A_2 = arith.muli %arg1, %mul3A_1 : i32
    %mul3A_3 = arith.constant 640 : i32
    %mul3A_4 = arith.muli %arg1, %mul3A_3 : i32
    "tpu.region"() ({
      %run_scoped3A = tpu.sem_alloc : memref<!tpu.dma_semaphore, #tpu.memory_space<semaphore_mem>>
      %dma_start3A_52 = arith.constant 0 : i32
      %dma_start3A_53 = tpu.memref_slice %arg14[%mul3A_4, %dma_start3A_52] : memref<10240x64xf32, #tpu.memory_space<vmem_shared>> -> memref<640x64xf32, #tpu.memory_space<vmem_shared>>
      %dma_start3A_54 = arith.constant 0 : i32
      %dma_start3A_55 = tpu.memref_slice %arg5[%mul3A_2, %dma_start3A_54] : memref<10240x64xf32, #tpu.memory_space<hbm>> -> memref<640x64xf32, #tpu.memory_space<hbm>>
      tpu.enqueue_dma source(%dma_start3A_55 : memref<640x64xf32, #tpu.memory_space<hbm>>) target(%dma_start3A_53 : memref<640x64xf32, #tpu.memory_space<vmem_shared>>) target_semaphore(%run_scoped3A : memref<!tpu.dma_semaphore, #tpu.memory_space<semaphore_mem>>)
      %dma_wait3A = arith.constant 0 : i32
      %dma_wait3A_56 = tpu.memref_slice %arg14[%mul3A_4, %dma_wait3A] : memref<10240x64xf32, #tpu.memory_space<vmem_shared>> -> memref<640x64xf32, #tpu.memory_space<vmem_shared>>
      %dma_wait3A_57 = arith.constant 0 : i32
      %dma_wait3A_58 = tpu.memref_slice %arg5[%mul3A_2, %dma_wait3A_57] : memref<10240x64xf32, #tpu.memory_space<hbm>> -> memref<640x64xf32, #tpu.memory_space<hbm>>
      tpu.wait_dma2 semaphore(%run_scoped3A : memref<!tpu.dma_semaphore, #tpu.memory_space<semaphore_mem>>) src(%dma_wait3A_58 : memref<640x64xf32, #tpu.memory_space<hbm>>) dst(%dma_wait3A_56 : memref<640x64xf32, #tpu.memory_space<vmem_shared>>)
      tpu.yield
    }) : () -> ()
    "tpu.region"() ({
      %run_scoped3A = tpu.sem_alloc : memref<!tpu.dma_semaphore, #tpu.memory_space<semaphore_mem>>
      %dma_start3A_52 = arith.constant 0 : i32
      %dma_start3A_53 = arith.constant 0 : i32
      %dma_start3A_54 = tpu.memref_slice %arg3[%add3A, %dma_start3A_52, %dma_start3A_53] : memref<32x125x80xi32, #tpu.memory_space<hbm>> -> memref<1x125x80xi32, #tpu.memory_space<hbm>>
      %dma_start3A_55 = tpu.memref_squeeze %dma_start3A_54 : memref<1x125x80xi32, #tpu.memory_space<hbm>> -> memref<125x80xi32, #tpu.memory_space<hbm>>
      %dma_start3A_56 = arith.constant 0 : i32
      %dma_start3A_57 = arith.constant 0 : i32
      %dma_start3A_58 = tpu.memref_slice %arg3[%add3A, %dma_start3A_56, %dma_start3A_57] : memref<32x125x80xi32, #tpu.memory_space<hbm>> -> memref<1x125x80xi32, #tpu.memory_space<hbm>>
      %dma_start3A_59 = tpu.memref_squeeze %dma_start3A_58 : memref<1x125x80xi32, #tpu.memory_space<hbm>> -> memref<125x80xi32, #tpu.memory_space<hbm>>
      tpu.enqueue_dma source(%dma_start3A_59 : memref<125x80xi32, #tpu.memory_space<hbm>>) target(%arg7 : memref<125x80xi32, #tpu.memory_space<vmem>>) target_semaphore(%run_scoped3A : memref<!tpu.dma_semaphore, #tpu.memory_space<semaphore_mem>>)
      %dma_wait3A = arith.constant 0 : i32
      %dma_wait3A_60 = arith.constant 0 : i32
      %dma_wait3A_61 = tpu.memref_slice %arg3[%add3A, %dma_wait3A, %dma_wait3A_60] : memref<32x125x80xi32, #tpu.memory_space<hbm>> -> memref<1x125x80xi32, #tpu.memory_space<hbm>>
      %dma_wait3A_62 = tpu.memref_squeeze %dma_wait3A_61 : memref<1x125x80xi32, #tpu.memory_space<hbm>> -> memref<125x80xi32, #tpu.memory_space<hbm>>
      %dma_wait3A_63 = arith.constant 0 : i32
      %dma_wait3A_64 = arith.constant 0 : i32
      %dma_wait3A_65 = tpu.memref_slice %arg3[%add3A, %dma_wait3A_63, %dma_wait3A_64] : memref<32x125x80xi32, #tpu.memory_space<hbm>> -> memref<1x125x80xi32, #tpu.memory_space<hbm>>
      %dma_wait3A_66 = tpu.memref_squeeze %dma_wait3A_65 : memref<1x125x80xi32, #tpu.memory_space<hbm>> -> memref<125x80xi32, #tpu.memory_space<hbm>>
      tpu.wait_dma2 semaphore(%run_scoped3A : memref<!tpu.dma_semaphore, #tpu.memory_space<semaphore_mem>>) src(%dma_wait3A_66 : memref<125x80xi32, #tpu.memory_space<hbm>>) dst(%arg7 : memref<125x80xi32, #tpu.memory_space<vmem>>)
      tpu.yield
    }) : () -> ()
    "tpu.region"() ({
      %run_scoped3A = tpu.sem_alloc : memref<!tpu.dma_semaphore, #tpu.memory_space<semaphore_mem>>
      %dma_start3A_52 = arith.constant 0 : i32
      %dma_start3A_53 = arith.constant 0 : i32
      %dma_start3A_54 = tpu.memref_slice %arg4[%add3A, %dma_start3A_52, %dma_start3A_53] : memref<32x125x80xi32, #tpu.memory_space<hbm>> -> memref<1x125x80xi32, #tpu.memory_space<hbm>>
      %dma_start3A_55 = tpu.memref_squeeze %dma_start3A_54 : memref<1x125x80xi32, #tpu.memory_space<hbm>> -> memref<125x80xi32, #tpu.memory_space<hbm>>
      %dma_start3A_56 = arith.constant 0 : i32
      %dma_start3A_57 = arith.constant 0 : i32
      %dma_start3A_58 = tpu.memref_slice %arg4[%add3A, %dma_start3A_56, %dma_start3A_57] : memref<32x125x80xi32, #tpu.memory_space<hbm>> -> memref<1x125x80xi32, #tpu.memory_space<hbm>>
      %dma_start3A_59 = tpu.memref_squeeze %dma_start3A_58 : memref<1x125x80xi32, #tpu.memory_space<hbm>> -> memref<125x80xi32, #tpu.memory_space<hbm>>
      tpu.enqueue_dma source(%dma_start3A_59 : memref<125x80xi32, #tpu.memory_space<hbm>>) target(%arg8 : memref<125x80xi32, #tpu.memory_space<vmem>>) target_semaphore(%run_scoped3A : memref<!tpu.dma_semaphore, #tpu.memory_space<semaphore_mem>>)
      %dma_wait3A = arith.constant 0 : i32
      %dma_wait3A_60 = arith.constant 0 : i32
      %dma_wait3A_61 = tpu.memref_slice %arg4[%add3A, %dma_wait3A, %dma_wait3A_60] : memref<32x125x80xi32, #tpu.memory_space<hbm>> -> memref<1x125x80xi32, #tpu.memory_space<hbm>>
      %dma_wait3A_62 = tpu.memref_squeeze %dma_wait3A_61 : memref<1x125x80xi32, #tpu.memory_space<hbm>> -> memref<125x80xi32, #tpu.memory_space<hbm>>
      %dma_wait3A_63 = arith.constant 0 : i32
      %dma_wait3A_64 = arith.constant 0 : i32
      %dma_wait3A_65 = tpu.memref_slice %arg4[%add3A, %dma_wait3A_63, %dma_wait3A_64] : memref<32x125x80xi32, #tpu.memory_space<hbm>> -> memref<1x125x80xi32, #tpu.memory_space<hbm>>
      %dma_wait3A_66 = tpu.memref_squeeze %dma_wait3A_65 : memref<1x125x80xi32, #tpu.memory_space<hbm>> -> memref<125x80xi32, #tpu.memory_space<hbm>>
      tpu.wait_dma2 semaphore(%run_scoped3A : memref<!tpu.dma_semaphore, #tpu.memory_space<semaphore_mem>>) src(%dma_wait3A_66 : memref<125x80xi32, #tpu.memory_space<hbm>>) dst(%arg8 : memref<125x80xi32, #tpu.memory_space<vmem>>)
      tpu.yield
    }) : () -> ()
    %dma_start3A = arith.constant 0 : i32
    %dma_start3A_5 = arith.constant 0 : i32
    %dma_start3A_6 = tpu.memref_slice %arg7[%dma_start3A, %dma_start3A_5] : memref<125x80xi32, #tpu.memory_space<vmem>> -> memref<1x80xi32, #tpu.memory_space<vmem>>
    %dma_start3A_7 = tpu.memref_squeeze %dma_start3A_6 : memref<1x80xi32, #tpu.memory_space<vmem>> -> memref<80xi32, #tpu.memory_space<vmem>>
    %dma_start3A_8 = arith.constant 0 : i32
    %dma_start3A_9 = arith.constant 0 : i32
    %dma_start3A_10 = tpu.memref_slice %arg2[%dma_start3A_8, %dma_start3A_9] : memref<10000x64xf32, #tpu.memory_space<hbm>> -> memref<10000x64xf32, #tpu.memory_space<hbm>>
    tpu.enqueue_indirect_dma source(%dma_start3A_10 : memref<10000x64xf32, #tpu.memory_space<hbm>>) target(%arg9 : memref<80x64xf32, #tpu.memory_space<vmem>>) offsets(%dma_start3A_7 : memref<80xi32, #tpu.memory_space<vmem>>) semaphore(%arg15 : memref<!tpu.dma_semaphore, #tpu.memory_space<semaphore_mem>>)
    %dma_start3A_11 = arith.constant 1 : i32
    %dma_start3A_12 = arith.constant 0 : i32
    %dma_start3A_13 = tpu.memref_slice %arg7[%dma_start3A_11, %dma_start3A_12] : memref<125x80xi32, #tpu.memory_space<vmem>> -> memref<1x80xi32, #tpu.memory_space<vmem>>
    %dma_start3A_14 = tpu.memref_squeeze %dma_start3A_13 : memref<1x80xi32, #tpu.memory_space<vmem>> -> memref<80xi32, #tpu.memory_space<vmem>>
    %dma_start3A_15 = arith.constant 0 : i32
    %dma_start3A_16 = arith.constant 0 : i32
    %dma_start3A_17 = tpu.memref_slice %arg2[%dma_start3A_15, %dma_start3A_16] : memref<10000x64xf32, #tpu.memory_space<hbm>> -> memref<10000x64xf32, #tpu.memory_space<hbm>>
    tpu.enqueue_indirect_dma source(%dma_start3A_17 : memref<10000x64xf32, #tpu.memory_space<hbm>>) target(%arg10 : memref<80x64xf32, #tpu.memory_space<vmem>>) offsets(%dma_start3A_14 : memref<80xi32, #tpu.memory_space<vmem>>) semaphore(%arg16 : memref<!tpu.dma_semaphore, #tpu.memory_space<semaphore_mem>>)
    %dma_start3A_18 = arith.constant 2 : i32
    %dma_start3A_19 = arith.constant 0 : i32
    %dma_start3A_20 = tpu.memref_slice %arg7[%dma_start3A_18, %dma_start3A_19] : memref<125x80xi32, #tpu.memory_space<vmem>> -> memref<1x80xi32, #tpu.memory_space<vmem>>
    %dma_start3A_21 = tpu.memref_squeeze %dma_start3A_20 : memref<1x80xi32, #tpu.memory_space<vmem>> -> memref<80xi32, #tpu.memory_space<vmem>>
    %dma_start3A_22 = arith.constant 0 : i32
    %dma_start3A_23 = arith.constant 0 : i32
    %dma_start3A_24 = tpu.memref_slice %arg2[%dma_start3A_22, %dma_start3A_23] : memref<10000x64xf32, #tpu.memory_space<hbm>> -> memref<10000x64xf32, #tpu.memory_space<hbm>>
    tpu.enqueue_indirect_dma source(%dma_start3A_24 : memref<10000x64xf32, #tpu.memory_space<hbm>>) target(%arg11 : memref<80x64xf32, #tpu.memory_space<vmem>>) offsets(%dma_start3A_21 : memref<80xi32, #tpu.memory_space<vmem>>) semaphore(%arg17 : memref<!tpu.dma_semaphore, #tpu.memory_space<semaphore_mem>>)
    %dma_start3A_25 = arith.constant 3 : i32
    %dma_start3A_26 = arith.constant 0 : i32
    %dma_start3A_27 = tpu.memref_slice %arg7[%dma_start3A_25, %dma_start3A_26] : memref<125x80xi32, #tpu.memory_space<vmem>> -> memref<1x80xi32, #tpu.memory_space<vmem>>
    %dma_start3A_28 = tpu.memref_squeeze %dma_start3A_27 : memref<1x80xi32, #tpu.memory_space<vmem>> -> memref<80xi32, #tpu.memory_space<vmem>>
    %dma_start3A_29 = arith.constant 0 : i32
    %dma_start3A_30 = arith.constant 0 : i32
    %dma_start3A_31 = tpu.memref_slice %arg2[%dma_start3A_29, %dma_start3A_30] : memref<10000x64xf32, #tpu.memory_space<hbm>> -> memref<10000x64xf32, #tpu.memory_space<hbm>>
    tpu.enqueue_indirect_dma source(%dma_start3A_31 : memref<10000x64xf32, #tpu.memory_space<hbm>>) target(%arg12 : memref<80x64xf32, #tpu.memory_space<vmem>>) offsets(%dma_start3A_28 : memref<80xi32, #tpu.memory_space<vmem>>) semaphore(%arg18 : memref<!tpu.dma_semaphore, #tpu.memory_space<semaphore_mem>>)
    %dma_start3A_32 = arith.constant 4 : i32
    %dma_start3A_33 = arith.constant 0 : i32
    %dma_start3A_34 = tpu.memref_slice %arg7[%dma_start3A_32, %dma_start3A_33] : memref<125x80xi32, #tpu.memory_space<vmem>> -> memref<1x80xi32, #tpu.memory_space<vmem>>
    %dma_start3A_35 = tpu.memref_squeeze %dma_start3A_34 : memref<1x80xi32, #tpu.memory_space<vmem>> -> memref<80xi32, #tpu.memory_space<vmem>>
    %dma_start3A_36 = arith.constant 0 : i32
    %dma_start3A_37 = arith.constant 0 : i32
    %dma_start3A_38 = tpu.memref_slice %arg2[%dma_start3A_36, %dma_start3A_37] : memref<10000x64xf32, #tpu.memory_space<hbm>> -> memref<10000x64xf32, #tpu.memory_space<hbm>>
    tpu.enqueue_indirect_dma source(%dma_start3A_38 : memref<10000x64xf32, #tpu.memory_space<hbm>>) target(%arg13 : memref<80x64xf32, #tpu.memory_space<vmem>>) offsets(%dma_start3A_35 : memref<80xi32, #tpu.memory_space<vmem>>) semaphore(%arg19 : memref<!tpu.dma_semaphore, #tpu.memory_space<semaphore_mem>>)
    %barrier3A = arith.constant 0 : index
    tpu.barrier barrier_id(%barrier3A)
    %scan3A = arith.constant 0 : i32
    %scan3A_39 = arith.constant 0 : i32
    %scan3A_40 = arith.constant 25 : i32
    %scan3A_41 = arith.addi %scan3A_39, %scan3A_40 : i32
    %scan3A_42 = arith.constant 1 : i32
    scf.for %scan3A_52 = %scan3A_39 to %scan3A_41 step %scan3A_42  : i32 {
      %mul3A_53 = arith.constant 5 : i32
      %mul3A_54 = arith.muli %scan3A_52, %mul3A_53 : i32
      %add3A_55 = arith.constant 0 : i32
      %add3A_56 = arith.addi %mul3A_54, %add3A_55 : i32
      %dma_wait3A = arith.constant 0 : i32
      %dma_wait3A_57 = tpu.memref_slice %arg7[%add3A_56, %dma_wait3A] : memref<125x80xi32, #tpu.memory_space<vmem>> -> memref<1x80xi32, #tpu.memory_space<vmem>>
      %dma_wait3A_58 = tpu.memref_squeeze %dma_wait3A_57 : memref<1x80xi32, #tpu.memory_space<vmem>> -> memref<80xi32, #tpu.memory_space<vmem>>
      %dma_wait3A_59 = arith.constant 0 : i32
      %dma_wait3A_60 = arith.constant 0 : i32
      %dma_wait3A_61 = tpu.memref_slice %arg2[%dma_wait3A_59, %dma_wait3A_60] : memref<10000x64xf32, #tpu.memory_space<hbm>> -> memref<10000x64xf32, #tpu.memory_space<hbm>>
      tpu.wait_indirect_dma semaphore(%arg15 : memref<!tpu.dma_semaphore, #tpu.memory_space<semaphore_mem>>) src(%dma_wait3A_61 : memref<10000x64xf32, #tpu.memory_space<hbm>>) dst(%arg9 : memref<80x64xf32, #tpu.memory_space<vmem>>)
      "tpu.region"() ({
        %run_scoped3A = tpu.sem_alloc : memref<!tpu.dma_semaphore, #tpu.memory_space<semaphore_mem>>
        %dma_start3A_126 = arith.constant 0 : i32
        %dma_start3A_127 = tpu.memref_slice %arg8[%add3A_56, %dma_start3A_126] : memref<125x80xi32, #tpu.memory_space<vmem>> -> memref<1x80xi32, #tpu.memory_space<vmem>>
        %dma_start3A_128 = tpu.memref_squeeze %dma_start3A_127 : memref<1x80xi32, #tpu.memory_space<vmem>> -> memref<80xi32, #tpu.memory_space<vmem>>
        %dma_start3A_129 = arith.constant 0 : i32
        %dma_start3A_130 = arith.constant 0 : i32
        %dma_start3A_131 = tpu.memref_slice %arg14[%dma_start3A_129, %dma_start3A_130] : memref<10240x64xf32, #tpu.memory_space<vmem_shared>> -> memref<10240x64xf32, #tpu.memory_space<vmem_shared>>
        tpu.enqueue_indirect_dma source(%arg9 : memref<80x64xf32, #tpu.memory_space<vmem>>) target(%dma_start3A_131 : memref<10240x64xf32, #tpu.memory_space<vmem_shared>>) offsets(%dma_start3A_128 : memref<80xi32, #tpu.memory_space<vmem>>) semaphore(%run_scoped3A : memref<!tpu.dma_semaphore, #tpu.memory_space<semaphore_mem>>) {add = true}
        %dma_wait3A_132 = arith.constant 0 : i32
        %dma_wait3A_133 = tpu.memref_slice %arg8[%add3A_56, %dma_wait3A_132] : memref<125x80xi32, #tpu.memory_space<vmem>> -> memref<1x80xi32, #tpu.memory_space<vmem>>
        %dma_wait3A_134 = tpu.memref_squeeze %dma_wait3A_133 : memref<1x80xi32, #tpu.memory_space<vmem>> -> memref<80xi32, #tpu.memory_space<vmem>>
        %dma_wait3A_135 = arith.constant 0 : i32
        %dma_wait3A_136 = arith.constant 0 : i32
        %dma_wait3A_137 = tpu.memref_slice %arg14[%dma_wait3A_135, %dma_wait3A_136] : memref<10240x64xf32, #tpu.memory_space<vmem_shared>> -> memref<10240x64xf32, #tpu.memory_space<vmem_shared>>
        tpu.wait_indirect_dma semaphore(%run_scoped3A : memref<!tpu.dma_semaphore, #tpu.memory_space<semaphore_mem>>) src(%arg9 : memref<80x64xf32, #tpu.memory_space<vmem>>) dst(%dma_wait3A_137 : memref<10240x64xf32, #tpu.memory_space<vmem_shared>>)
        tpu.yield
      }) : () -> ()
      %add3A_62 = arith.constant 5 : i32
      %add3A_63 = arith.addi %add3A_56, %add3A_62 : i32
      %lt3A = arith.constant 125 : i32
      %lt3A_64 = arith.cmpi slt, %add3A_63, %lt3A : i32
      %convert_element_type3A = arith.extui %lt3A_64 : i1 to i32
      %cond3A = arith.constant 0 : i32
      %cond3A_65 = arith.cmpi ne, %convert_element_type3A, %cond3A : i32
      scf.if %cond3A_65 {
        %add3A_126 = arith.constant 5 : i32
        %add3A_127 = arith.addi %add3A_56, %add3A_126 : i32
        %dma_start3A_128 = arith.constant 0 : i32
        %dma_start3A_129 = tpu.memref_slice %arg7[%add3A_127, %dma_start3A_128] : memref<125x80xi32, #tpu.memory_space<vmem>> -> memref<1x80xi32, #tpu.memory_space<vmem>>
        %dma_start3A_130 = tpu.memref_squeeze %dma_start3A_129 : memref<1x80xi32, #tpu.memory_space<vmem>> -> memref<80xi32, #tpu.memory_space<vmem>>
        %dma_start3A_131 = arith.constant 0 : i32
        %dma_start3A_132 = arith.constant 0 : i32
        %dma_start3A_133 = tpu.memref_slice %arg2[%dma_start3A_131, %dma_start3A_132] : memref<10000x64xf32, #tpu.memory_space<hbm>> -> memref<10000x64xf32, #tpu.memory_space<hbm>>
        tpu.enqueue_indirect_dma source(%dma_start3A_133 : memref<10000x64xf32, #tpu.memory_space<hbm>>) target(%arg9 : memref<80x64xf32, #tpu.memory_space<vmem>>) offsets(%dma_start3A_130 : memref<80xi32, #tpu.memory_space<vmem>>) semaphore(%arg15 : memref<!tpu.dma_semaphore, #tpu.memory_space<semaphore_mem>>)
      } else {
      }
      %add3A_66 = arith.constant 1 : i32
      %add3A_67 = arith.addi %mul3A_54, %add3A_66 : i32
      %dma_wait3A_68 = arith.constant 0 : i32
      %dma_wait3A_69 = tpu.memref_slice %arg7[%add3A_67, %dma_wait3A_68] : memref<125x80xi32, #tpu.memory_space<vmem>> -> memref<1x80xi32, #tpu.memory_space<vmem>>
      %dma_wait3A_70 = tpu.memref_squeeze %dma_wait3A_69 : memref<1x80xi32, #tpu.memory_space<vmem>> -> memref<80xi32, #tpu.memory_space<vmem>>
      %dma_wait3A_71 = arith.constant 0 : i32
      %dma_wait3A_72 = arith.constant 0 : i32
      %dma_wait3A_73 = tpu.memref_slice %arg2[%dma_wait3A_71, %dma_wait3A_72] : memref<10000x64xf32, #tpu.memory_space<hbm>> -> memref<10000x64xf32, #tpu.memory_space<hbm>>
      tpu.wait_indirect_dma semaphore(%arg16 : memref<!tpu.dma_semaphore, #tpu.memory_space<semaphore_mem>>) src(%dma_wait3A_73 : memref<10000x64xf32, #tpu.memory_space<hbm>>) dst(%arg10 : memref<80x64xf32, #tpu.memory_space<vmem>>)
      "tpu.region"() ({
        %run_scoped3A = tpu.sem_alloc : memref<!tpu.dma_semaphore, #tpu.memory_space<semaphore_mem>>
        %dma_start3A_126 = arith.constant 0 : i32
        %dma_start3A_127 = tpu.memref_slice %arg8[%add3A_67, %dma_start3A_126] : memref<125x80xi32, #tpu.memory_space<vmem>> -> memref<1x80xi32, #tpu.memory_space<vmem>>
        %dma_start3A_128 = tpu.memref_squeeze %dma_start3A_127 : memref<1x80xi32, #tpu.memory_space<vmem>> -> memref<80xi32, #tpu.memory_space<vmem>>
        %dma_start3A_129 = arith.constant 0 : i32
        %dma_start3A_130 = arith.constant 0 : i32
        %dma_start3A_131 = tpu.memref_slice %arg14[%dma_start3A_129, %dma_start3A_130] : memref<10240x64xf32, #tpu.memory_space<vmem_shared>> -> memref<10240x64xf32, #tpu.memory_space<vmem_shared>>
        tpu.enqueue_indirect_dma source(%arg10 : memref<80x64xf32, #tpu.memory_space<vmem>>) target(%dma_start3A_131 : memref<10240x64xf32, #tpu.memory_space<vmem_shared>>) offsets(%dma_start3A_128 : memref<80xi32, #tpu.memory_space<vmem>>) semaphore(%run_scoped3A : memref<!tpu.dma_semaphore, #tpu.memory_space<semaphore_mem>>) {add = true}
        %dma_wait3A_132 = arith.constant 0 : i32
        %dma_wait3A_133 = tpu.memref_slice %arg8[%add3A_67, %dma_wait3A_132] : memref<125x80xi32, #tpu.memory_space<vmem>> -> memref<1x80xi32, #tpu.memory_space<vmem>>
        %dma_wait3A_134 = tpu.memref_squeeze %dma_wait3A_133 : memref<1x80xi32, #tpu.memory_space<vmem>> -> memref<80xi32, #tpu.memory_space<vmem>>
        %dma_wait3A_135 = arith.constant 0 : i32
        %dma_wait3A_136 = arith.constant 0 : i32
        %dma_wait3A_137 = tpu.memref_slice %arg14[%dma_wait3A_135, %dma_wait3A_136] : memref<10240x64xf32, #tpu.memory_space<vmem_shared>> -> memref<10240x64xf32, #tpu.memory_space<vmem_shared>>
        tpu.wait_indirect_dma semaphore(%run_scoped3A : memref<!tpu.dma_semaphore, #tpu.memory_space<semaphore_mem>>) src(%arg10 : memref<80x64xf32, #tpu.memory_space<vmem>>) dst(%dma_wait3A_137 : memref<10240x64xf32, #tpu.memory_space<vmem_shared>>)
        tpu.yield
      }) : () -> ()
      %add3A_74 = arith.constant 5 : i32
      %add3A_75 = arith.addi %add3A_67, %add3A_74 : i32
      %lt3A_76 = arith.constant 125 : i32
      %lt3A_77 = arith.cmpi slt, %add3A_75, %lt3A_76 : i32
      %convert_element_type3A_78 = arith.extui %lt3A_77 : i1 to i32
      %cond3A_79 = arith.constant 0 : i32
      %cond3A_80 = arith.cmpi ne, %convert_element_type3A_78, %cond3A_79 : i32
      scf.if %cond3A_80 {
        %add3A_126 = arith.constant 5 : i32
        %add3A_127 = arith.addi %add3A_67, %add3A_126 : i32
        %dma_start3A_128 = arith.constant 0 : i32
        %dma_start3A_129 = tpu.memref_slice %arg7[%add3A_127, %dma_start3A_128] : memref<125x80xi32, #tpu.memory_space<vmem>> -> memref<1x80xi32, #tpu.memory_space<vmem>>
        %dma_start3A_130 = tpu.memref_squeeze %dma_start3A_129 : memref<1x80xi32, #tpu.memory_space<vmem>> -> memref<80xi32, #tpu.memory_space<vmem>>
        %dma_start3A_131 = arith.constant 0 : i32
        %dma_start3A_132 = arith.constant 0 : i32
        %dma_start3A_133 = tpu.memref_slice %arg2[%dma_start3A_131, %dma_start3A_132] : memref<10000x64xf32, #tpu.memory_space<hbm>> -> memref<10000x64xf32, #tpu.memory_space<hbm>>
        tpu.enqueue_indirect_dma source(%dma_start3A_133 : memref<10000x64xf32, #tpu.memory_space<hbm>>) target(%arg10 : memref<80x64xf32, #tpu.memory_space<vmem>>) offsets(%dma_start3A_130 : memref<80xi32, #tpu.memory_space<vmem>>) semaphore(%arg16 : memref<!tpu.dma_semaphore, #tpu.memory_space<semaphore_mem>>)
      } else {
      }
      %add3A_81 = arith.constant 2 : i32
      %add3A_82 = arith.addi %mul3A_54, %add3A_81 : i32
      %dma_wait3A_83 = arith.constant 0 : i32
      %dma_wait3A_84 = tpu.memref_slice %arg7[%add3A_82, %dma_wait3A_83] : memref<125x80xi32, #tpu.memory_space<vmem>> -> memref<1x80xi32, #tpu.memory_space<vmem>>
      %dma_wait3A_85 = tpu.memref_squeeze %dma_wait3A_84 : memref<1x80xi32, #tpu.memory_space<vmem>> -> memref<80xi32, #tpu.memory_space<vmem>>
      %dma_wait3A_86 = arith.constant 0 : i32
      %dma_wait3A_87 = arith.constant 0 : i32
      %dma_wait3A_88 = tpu.memref_slice %arg2[%dma_wait3A_86, %dma_wait3A_87] : memref<10000x64xf32, #tpu.memory_space<hbm>> -> memref<10000x64xf32, #tpu.memory_space<hbm>>
      tpu.wait_indirect_dma semaphore(%arg17 : memref<!tpu.dma_semaphore, #tpu.memory_space<semaphore_mem>>) src(%dma_wait3A_88 : memref<10000x64xf32, #tpu.memory_space<hbm>>) dst(%arg11 : memref<80x64xf32, #tpu.memory_space<vmem>>)
      "tpu.region"() ({
        %run_scoped3A = tpu.sem_alloc : memref<!tpu.dma_semaphore, #tpu.memory_space<semaphore_mem>>
        %dma_start3A_126 = arith.constant 0 : i32
        %dma_start3A_127 = tpu.memref_slice %arg8[%add3A_82, %dma_start3A_126] : memref<125x80xi32, #tpu.memory_space<vmem>> -> memref<1x80xi32, #tpu.memory_space<vmem>>
        %dma_start3A_128 = tpu.memref_squeeze %dma_start3A_127 : memref<1x80xi32, #tpu.memory_space<vmem>> -> memref<80xi32, #tpu.memory_space<vmem>>
        %dma_start3A_129 = arith.constant 0 : i32
        %dma_start3A_130 = arith.constant 0 : i32
        %dma_start3A_131 = tpu.memref_slice %arg14[%dma_start3A_129, %dma_start3A_130] : memref<10240x64xf32, #tpu.memory_space<vmem_shared>> -> memref<10240x64xf32, #tpu.memory_space<vmem_shared>>
        tpu.enqueue_indirect_dma source(%arg11 : memref<80x64xf32, #tpu.memory_space<vmem>>) target(%dma_start3A_131 : memref<10240x64xf32, #tpu.memory_space<vmem_shared>>) offsets(%dma_start3A_128 : memref<80xi32, #tpu.memory_space<vmem>>) semaphore(%run_scoped3A : memref<!tpu.dma_semaphore, #tpu.memory_space<semaphore_mem>>) {add = true}
        %dma_wait3A_132 = arith.constant 0 : i32
        %dma_wait3A_133 = tpu.memref_slice %arg8[%add3A_82, %dma_wait3A_132] : memref<125x80xi32, #tpu.memory_space<vmem>> -> memref<1x80xi32, #tpu.memory_space<vmem>>
        %dma_wait3A_134 = tpu.memref_squeeze %dma_wait3A_133 : memref<1x80xi32, #tpu.memory_space<vmem>> -> memref<80xi32, #tpu.memory_space<vmem>>
        %dma_wait3A_135 = arith.constant 0 : i32
        %dma_wait3A_136 = arith.constant 0 : i32
        %dma_wait3A_137 = tpu.memref_slice %arg14[%dma_wait3A_135, %dma_wait3A_136] : memref<10240x64xf32, #tpu.memory_space<vmem_shared>> -> memref<10240x64xf32, #tpu.memory_space<vmem_shared>>
        tpu.wait_indirect_dma semaphore(%run_scoped3A : memref<!tpu.dma_semaphore, #tpu.memory_space<semaphore_mem>>) src(%arg11 : memref<80x64xf32, #tpu.memory_space<vmem>>) dst(%dma_wait3A_137 : memref<10240x64xf32, #tpu.memory_space<vmem_shared>>)
        tpu.yield
      }) : () -> ()
      %add3A_89 = arith.constant 5 : i32
      %add3A_90 = arith.addi %add3A_82, %add3A_89 : i32
      %lt3A_91 = arith.constant 125 : i32
      %lt3A_92 = arith.cmpi slt, %add3A_90, %lt3A_91 : i32
      %convert_element_type3A_93 = arith.extui %lt3A_92 : i1 to i32
      %cond3A_94 = arith.constant 0 : i32
      %cond3A_95 = arith.cmpi ne, %convert_element_type3A_93, %cond3A_94 : i32
      scf.if %cond3A_95 {
        %add3A_126 = arith.constant 5 : i32
        %add3A_127 = arith.addi %add3A_82, %add3A_126 : i32
        %dma_start3A_128 = arith.constant 0 : i32
        %dma_start3A_129 = tpu.memref_slice %arg7[%add3A_127, %dma_start3A_128] : memref<125x80xi32, #tpu.memory_space<vmem>> -> memref<1x80xi32, #tpu.memory_space<vmem>>
        %dma_start3A_130 = tpu.memref_squeeze %dma_start3A_129 : memref<1x80xi32, #tpu.memory_space<vmem>> -> memref<80xi32, #tpu.memory_space<vmem>>
        %dma_start3A_131 = arith.constant 0 : i32
        %dma_start3A_132 = arith.constant 0 : i32
        %dma_start3A_133 = tpu.memref_slice %arg2[%dma_start3A_131, %dma_start3A_132] : memref<10000x64xf32, #tpu.memory_space<hbm>> -> memref<10000x64xf32, #tpu.memory_space<hbm>>
        tpu.enqueue_indirect_dma source(%dma_start3A_133 : memref<10000x64xf32, #tpu.memory_space<hbm>>) target(%arg11 : memref<80x64xf32, #tpu.memory_space<vmem>>) offsets(%dma_start3A_130 : memref<80xi32, #tpu.memory_space<vmem>>) semaphore(%arg17 : memref<!tpu.dma_semaphore, #tpu.memory_space<semaphore_mem>>)
      } else {
      }
      %add3A_96 = arith.constant 3 : i32
      %add3A_97 = arith.addi %mul3A_54, %add3A_96 : i32
      %dma_wait3A_98 = arith.constant 0 : i32
      %dma_wait3A_99 = tpu.memref_slice %arg7[%add3A_97, %dma_wait3A_98] : memref<125x80xi32, #tpu.memory_space<vmem>> -> memref<1x80xi32, #tpu.memory_space<vmem>>
      %dma_wait3A_100 = tpu.memref_squeeze %dma_wait3A_99 : memref<1x80xi32, #tpu.memory_space<vmem>> -> memref<80xi32, #tpu.memory_space<vmem>>
      %dma_wait3A_101 = arith.constant 0 : i32
      %dma_wait3A_102 = arith.constant 0 : i32
      %dma_wait3A_103 = tpu.memref_slice %arg2[%dma_wait3A_101, %dma_wait3A_102] : memref<10000x64xf32, #tpu.memory_space<hbm>> -> memref<10000x64xf32, #tpu.memory_space<hbm>>
      tpu.wait_indirect_dma semaphore(%arg18 : memref<!tpu.dma_semaphore, #tpu.memory_space<semaphore_mem>>) src(%dma_wait3A_103 : memref<10000x64xf32, #tpu.memory_space<hbm>>) dst(%arg12 : memref<80x64xf32, #tpu.memory_space<vmem>>)
      "tpu.region"() ({
        %run_scoped3A = tpu.sem_alloc : memref<!tpu.dma_semaphore, #tpu.memory_space<semaphore_mem>>
        %dma_start3A_126 = arith.constant 0 : i32
        %dma_start3A_127 = tpu.memref_slice %arg8[%add3A_97, %dma_start3A_126] : memref<125x80xi32, #tpu.memory_space<vmem>> -> memref<1x80xi32, #tpu.memory_space<vmem>>
        %dma_start3A_128 = tpu.memref_squeeze %dma_start3A_127 : memref<1x80xi32, #tpu.memory_space<vmem>> -> memref<80xi32, #tpu.memory_space<vmem>>
        %dma_start3A_129 = arith.constant 0 : i32
        %dma_start3A_130 = arith.constant 0 : i32
        %dma_start3A_131 = tpu.memref_slice %arg14[%dma_start3A_129, %dma_start3A_130] : memref<10240x64xf32, #tpu.memory_space<vmem_shared>> -> memref<10240x64xf32, #tpu.memory_space<vmem_shared>>
        tpu.enqueue_indirect_dma source(%arg12 : memref<80x64xf32, #tpu.memory_space<vmem>>) target(%dma_start3A_131 : memref<10240x64xf32, #tpu.memory_space<vmem_shared>>) offsets(%dma_start3A_128 : memref<80xi32, #tpu.memory_space<vmem>>) semaphore(%run_scoped3A : memref<!tpu.dma_semaphore, #tpu.memory_space<semaphore_mem>>) {add = true}
        %dma_wait3A_132 = arith.constant 0 : i32
        %dma_wait3A_133 = tpu.memref_slice %arg8[%add3A_97, %dma_wait3A_132] : memref<125x80xi32, #tpu.memory_space<vmem>> -> memref<1x80xi32, #tpu.memory_space<vmem>>
        %dma_wait3A_134 = tpu.memref_squeeze %dma_wait3A_133 : memref<1x80xi32, #tpu.memory_space<vmem>> -> memref<80xi32, #tpu.memory_space<vmem>>
        %dma_wait3A_135 = arith.constant 0 : i32
        %dma_wait3A_136 = arith.constant 0 : i32
        %dma_wait3A_137 = tpu.memref_slice %arg14[%dma_wait3A_135, %dma_wait3A_136] : memref<10240x64xf32, #tpu.memory_space<vmem_shared>> -> memref<10240x64xf32, #tpu.memory_space<vmem_shared>>
        tpu.wait_indirect_dma semaphore(%run_scoped3A : memref<!tpu.dma_semaphore, #tpu.memory_space<semaphore_mem>>) src(%arg12 : memref<80x64xf32, #tpu.memory_space<vmem>>) dst(%dma_wait3A_137 : memref<10240x64xf32, #tpu.memory_space<vmem_shared>>)
        tpu.yield
      }) : () -> ()
      %add3A_104 = arith.constant 5 : i32
      %add3A_105 = arith.addi %add3A_97, %add3A_104 : i32
      %lt3A_106 = arith.constant 125 : i32
      %lt3A_107 = arith.cmpi slt, %add3A_105, %lt3A_106 : i32
      %convert_element_type3A_108 = arith.extui %lt3A_107 : i1 to i32
      %cond3A_109 = arith.constant 0 : i32
      %cond3A_110 = arith.cmpi ne, %convert_element_type3A_108, %cond3A_109 : i32
      scf.if %cond3A_110 {
        %add3A_126 = arith.constant 5 : i32
        %add3A_127 = arith.addi %add3A_97, %add3A_126 : i32
        %dma_start3A_128 = arith.constant 0 : i32
        %dma_start3A_129 = tpu.memref_slice %arg7[%add3A_127, %dma_start3A_128] : memref<125x80xi32, #tpu.memory_space<vmem>> -> memref<1x80xi32, #tpu.memory_space<vmem>>
        %dma_start3A_130 = tpu.memref_squeeze %dma_start3A_129 : memref<1x80xi32, #tpu.memory_space<vmem>> -> memref<80xi32, #tpu.memory_space<vmem>>
        %dma_start3A_131 = arith.constant 0 : i32
        %dma_start3A_132 = arith.constant 0 : i32
        %dma_start3A_133 = tpu.memref_slice %arg2[%dma_start3A_131, %dma_start3A_132] : memref<10000x64xf32, #tpu.memory_space<hbm>> -> memref<10000x64xf32, #tpu.memory_space<hbm>>
        tpu.enqueue_indirect_dma source(%dma_start3A_133 : memref<10000x64xf32, #tpu.memory_space<hbm>>) target(%arg12 : memref<80x64xf32, #tpu.memory_space<vmem>>) offsets(%dma_start3A_130 : memref<80xi32, #tpu.memory_space<vmem>>) semaphore(%arg18 : memref<!tpu.dma_semaphore, #tpu.memory_space<semaphore_mem>>)
      } else {
      }
      %add3A_111 = arith.constant 4 : i32
      %add3A_112 = arith.addi %mul3A_54, %add3A_111 : i32
      %dma_wait3A_113 = arith.constant 0 : i32
      %dma_wait3A_114 = tpu.memref_slice %arg7[%add3A_112, %dma_wait3A_113] : memref<125x80xi32, #tpu.memory_space<vmem>> -> memref<1x80xi32, #tpu.memory_space<vmem>>
      %dma_wait3A_115 = tpu.memref_squeeze %dma_wait3A_114 : memref<1x80xi32, #tpu.memory_space<vmem>> -> memref<80xi32, #tpu.memory_space<vmem>>
      %dma_wait3A_116 = arith.constant 0 : i32
      %dma_wait3A_117 = arith.constant 0 : i32
      %dma_wait3A_118 = tpu.memref_slice %arg2[%dma_wait3A_116, %dma_wait3A_117] : memref<10000x64xf32, #tpu.memory_space<hbm>> -> memref<10000x64xf32, #tpu.memory_space<hbm>>
      tpu.wait_indirect_dma semaphore(%arg19 : memref<!tpu.dma_semaphore, #tpu.memory_space<semaphore_mem>>) src(%dma_wait3A_118 : memref<10000x64xf32, #tpu.memory_space<hbm>>) dst(%arg13 : memref<80x64xf32, #tpu.memory_space<vmem>>)
      "tpu.region"() ({
        %run_scoped3A = tpu.sem_alloc : memref<!tpu.dma_semaphore, #tpu.memory_space<semaphore_mem>>
        %dma_start3A_126 = arith.constant 0 : i32
        %dma_start3A_127 = tpu.memref_slice %arg8[%add3A_112, %dma_start3A_126] : memref<125x80xi32, #tpu.memory_space<vmem>> -> memref<1x80xi32, #tpu.memory_space<vmem>>
        %dma_start3A_128 = tpu.memref_squeeze %dma_start3A_127 : memref<1x80xi32, #tpu.memory_space<vmem>> -> memref<80xi32, #tpu.memory_space<vmem>>
        %dma_start3A_129 = arith.constant 0 : i32
        %dma_start3A_130 = arith.constant 0 : i32
        %dma_start3A_131 = tpu.memref_slice %arg14[%dma_start3A_129, %dma_start3A_130] : memref<10240x64xf32, #tpu.memory_space<vmem_shared>> -> memref<10240x64xf32, #tpu.memory_space<vmem_shared>>
        tpu.enqueue_indirect_dma source(%arg13 : memref<80x64xf32, #tpu.memory_space<vmem>>) target(%dma_start3A_131 : memref<10240x64xf32, #tpu.memory_space<vmem_shared>>) offsets(%dma_start3A_128 : memref<80xi32, #tpu.memory_space<vmem>>) semaphore(%run_scoped3A : memref<!tpu.dma_semaphore, #tpu.memory_space<semaphore_mem>>) {add = true}
        %dma_wait3A_132 = arith.constant 0 : i32
        %dma_wait3A_133 = tpu.memref_slice %arg8[%add3A_112, %dma_wait3A_132] : memref<125x80xi32, #tpu.memory_space<vmem>> -> memref<1x80xi32, #tpu.memory_space<vmem>>
        %dma_wait3A_134 = tpu.memref_squeeze %dma_wait3A_133 : memref<1x80xi32, #tpu.memory_space<vmem>> -> memref<80xi32, #tpu.memory_space<vmem>>
        %dma_wait3A_135 = arith.constant 0 : i32
        %dma_wait3A_136 = arith.constant 0 : i32
        %dma_wait3A_137 = tpu.memref_slice %arg14[%dma_wait3A_135, %dma_wait3A_136] : memref<10240x64xf32, #tpu.memory_space<vmem_shared>> -> memref<10240x64xf32, #tpu.memory_space<vmem_shared>>
        tpu.wait_indirect_dma semaphore(%run_scoped3A : memref<!tpu.dma_semaphore, #tpu.memory_space<semaphore_mem>>) src(%arg13 : memref<80x64xf32, #tpu.memory_space<vmem>>) dst(%dma_wait3A_137 : memref<10240x64xf32, #tpu.memory_space<vmem_shared>>)
        tpu.yield
      }) : () -> ()
      %add3A_119 = arith.constant 5 : i32
      %add3A_120 = arith.addi %add3A_112, %add3A_119 : i32
      %lt3A_121 = arith.constant 125 : i32
      %lt3A_122 = arith.cmpi slt, %add3A_120, %lt3A_121 : i32
      %convert_element_type3A_123 = arith.extui %lt3A_122 : i1 to i32
      %cond3A_124 = arith.constant 0 : i32
      %cond3A_125 = arith.cmpi ne, %convert_element_type3A_123, %cond3A_124 : i32
      scf.if %cond3A_125 {
        %add3A_126 = arith.constant 5 : i32
        %add3A_127 = arith.addi %add3A_112, %add3A_126 : i32
        %dma_start3A_128 = arith.constant 0 : i32
        %dma_start3A_129 = tpu.memref_slice %arg7[%add3A_127, %dma_start3A_128] : memref<125x80xi32, #tpu.memory_space<vmem>> -> memref<1x80xi32, #tpu.memory_space<vmem>>
        %dma_start3A_130 = tpu.memref_squeeze %dma_start3A_129 : memref<1x80xi32, #tpu.memory_space<vmem>> -> memref<80xi32, #tpu.memory_space<vmem>>
        %dma_start3A_131 = arith.constant 0 : i32
        %dma_start3A_132 = arith.constant 0 : i32
        %dma_start3A_133 = tpu.memref_slice %arg2[%dma_start3A_131, %dma_start3A_132] : memref<10000x64xf32, #tpu.memory_space<hbm>> -> memref<10000x64xf32, #tpu.memory_space<hbm>>
        tpu.enqueue_indirect_dma source(%dma_start3A_133 : memref<10000x64xf32, #tpu.memory_space<hbm>>) target(%arg13 : memref<80x64xf32, #tpu.memory_space<vmem>>) offsets(%dma_start3A_130 : memref<80xi32, #tpu.memory_space<vmem>>) semaphore(%arg19 : memref<!tpu.dma_semaphore, #tpu.memory_space<semaphore_mem>>)
      } else {
      }
    }
    %scan3A_43 = arith.constant 25 : i32
    %barrier3A_44 = arith.constant 0 : index
    tpu.barrier barrier_id(%barrier3A_44)
    %mul3A_45 = arith.constant 640 : i32
    %mul3A_46 = arith.muli %arg1, %mul3A_45 : i32
    %mul3A_47 = arith.constant 10240 : i32
    %mul3A_48 = arith.muli %arg0, %mul3A_47 : i32
    %mul3A_49 = arith.constant 640 : i32
    %mul3A_50 = arith.muli %arg1, %mul3A_49 : i32
    %add3A_51 = arith.addi %mul3A_48, %mul3A_50 : i32
    "tpu.region"() ({
      %run_scoped3A = tpu.sem_alloc : memref<!tpu.dma_semaphore, #tpu.memory_space<semaphore_mem>>
      %dma_start3A_52 = arith.constant 0 : i32
      %dma_start3A_53 = tpu.memref_slice %arg6[%add3A_51, %dma_start3A_52] : memref<20480x64xf32, #tpu.memory_space<hbm>> -> memref<640x64xf32, #tpu.memory_space<hbm>>
      %dma_start3A_54 = arith.constant 0 : i32
      %dma_start3A_55 = tpu.memref_slice %arg14[%mul3A_46, %dma_start3A_54] : memref<10240x64xf32, #tpu.memory_space<vmem_shared>> -> memref<640x64xf32, #tpu.memory_space<vmem_shared>>
      tpu.enqueue_dma source(%dma_start3A_55 : memref<640x64xf32, #tpu.memory_space<vmem_shared>>) target(%dma_start3A_53 : memref<640x64xf32, #tpu.memory_space<hbm>>) target_semaphore(%run_scoped3A : memref<!tpu.dma_semaphore, #tpu.memory_space<semaphore_mem>>)
      %dma_wait3A = arith.constant 0 : i32
      %dma_wait3A_56 = tpu.memref_slice %arg6[%add3A_51, %dma_wait3A] : memref<20480x64xf32, #tpu.memory_space<hbm>> -> memref<640x64xf32, #tpu.memory_space<hbm>>
      %dma_wait3A_57 = arith.constant 0 : i32
      %dma_wait3A_58 = tpu.memref_slice %arg14[%mul3A_46, %dma_wait3A_57] : memref<10240x64xf32, #tpu.memory_space<vmem_shared>> -> memref<640x64xf32, #tpu.memory_space<vmem_shared>>
      tpu.wait_dma2 semaphore(%run_scoped3A : memref<!tpu.dma_semaphore, #tpu.memory_space<semaphore_mem>>) src(%dma_wait3A_58 : memref<640x64xf32, #tpu.memory_space<vmem_shared>>) dst(%dma_wait3A_56 : memref<640x64xf32, #tpu.memory_space<hbm>>)
      tpu.yield
    }) : () -> ()
    return
  }
}

#map = affine_map<(d0, d1) -> (0, 0)>
#map1 = affine_map<(d0, d1) -> (0, 0, 0)>
module attributes {stable_mosaic.version = 14 : i64} {
  func.func @_agg_kernel(%arg0: i32, %arg1: i32, %arg2: memref<10000x64xf32, #tpu.memory_space<hbm>>, %arg3: memref<32x125x80xi32, #tpu.memory_space<hbm>>, %arg4: memref<32x125x80xi32, #tpu.memory_space<hbm>>, %arg5: memref<10240x64xf32, #tpu.memory_space<hbm>>, %arg6: memref<20480x64xf32, #tpu.memory_space<hbm>>, %arg7: memref<125x80xi32, #tpu.memory_space<vmem>>, %arg8: memref<125x80xi32, #tpu.memory_space<vmem>>, %arg9: memref<80x64xf32, #tpu.memory_space<vmem>>, %arg10: memref<80x64xf32, #tpu.memory_space<vmem>>, %arg11: memref<80x64xf32, #tpu.memory_space<vmem>>, %arg12: memref<80x64xf32, #tpu.memory_space<vmem>>, %arg13: memref<80x64xf32, #tpu.memory_space<vmem>>, %arg14: memref<10240x64xf32, #tpu.memory_space<vmem_shared>>, %arg15: memref<!tpu.dma_semaphore, #tpu.memory_space<semaphore_mem>>, %arg16: memref<!tpu.dma_semaphore, #tpu.memory_space<semaphore_mem>>, %arg17: memref<!tpu.dma_semaphore, #tpu.memory_space<semaphore_mem>>, %arg18: memref<!tpu.dma_semaphore, #tpu.memory_space<semaphore_mem>>, %arg19: memref<!tpu.dma_semaphore, #tpu.memory_space<semaphore_mem>>) attributes {dimension_semantics = [#tpu.dimension_semantics<core_parallel>, #tpu.dimension_semantics<subcore_parallel>], iteration_bounds = array<i64: 2, 16>, scalar_prefetch = 0 : i64, scratch_operands = 13 : i64, tpu.core_type = #tpu.core_type<sc_vector_subcore>, window_params = [{transform_indices = #map}, {transform_indices = #map1}, {transform_indices = #map1}, {transform_indices = #map}, {transform_indices = #map}]} {
    %mul3A = arith.constant 16 : i32
    %mul3A_0 = arith.muli %arg0, %mul3A : i32
    %add3A = arith.addi %mul3A_0, %arg1 : i32
    %mul3A_1 = arith.constant 640 : i32
    %mul3A_2 = arith.muli %arg1, %mul3A_1 : i32
    %mul3A_3 = arith.constant 640 : i32
    %mul3A_4 = arith.muli %arg1, %mul3A_3 : i32
    "tpu.region"() ({
      %run_scoped3A = tpu.sem_alloc : memref<!tpu.dma_semaphore, #tpu.memory_space<semaphore_mem>>
      %dma_start3A_52 = arith.constant 0 : i32
      %dma_start3A_53 = tpu.memref_slice %arg14[%mul3A_4, %dma_start3A_52] : memref<10240x64xf32, #tpu.memory_space<vmem_shared>> -> memref<640x64xf32, #tpu.memory_space<vmem_shared>>
      %dma_start3A_54 = arith.constant 0 : i32
      %dma_start3A_55 = tpu.memref_slice %arg5[%mul3A_2, %dma_start3A_54] : memref<10240x64xf32, #tpu.memory_space<hbm>> -> memref<640x64xf32, #tpu.memory_space<hbm>>
      tpu.enqueue_dma source(%dma_start3A_55 : memref<640x64xf32, #tpu.memory_space<hbm>>) target(%dma_start3A_53 : memref<640x64xf32, #tpu.memory_space<vmem_shared>>) target_semaphore(%run_scoped3A : memref<!tpu.dma_semaphore, #tpu.memory_space<semaphore_mem>>)
      %dma_wait3A = arith.constant 0 : i32
      %dma_wait3A_56 = tpu.memref_slice %arg14[%mul3A_4, %dma_wait3A] : memref<10240x64xf32, #tpu.memory_space<vmem_shared>> -> memref<640x64xf32, #tpu.memory_space<vmem_shared>>
      %dma_wait3A_57 = arith.constant 0 : i32
      %dma_wait3A_58 = tpu.memref_slice %arg5[%mul3A_2, %dma_wait3A_57] : memref<10240x64xf32, #tpu.memory_space<hbm>> -> memref<640x64xf32, #tpu.memory_space<hbm>>
      tpu.wait_dma2 semaphore(%run_scoped3A : memref<!tpu.dma_semaphore, #tpu.memory_space<semaphore_mem>>) src(%dma_wait3A_58 : memref<640x64xf32, #tpu.memory_space<hbm>>) dst(%dma_wait3A_56 : memref<640x64xf32, #tpu.memory_space<vmem_shared>>)
      tpu.yield
    }) : () -> ()
    "tpu.region"() ({
      %run_scoped3A = tpu.sem_alloc : memref<!tpu.dma_semaphore, #tpu.memory_space<semaphore_mem>>
      %dma_start3A_52 = arith.constant 0 : i32
      %dma_start3A_53 = arith.constant 0 : i32
      %dma_start3A_54 = tpu.memref_slice %arg3[%add3A, %dma_start3A_52, %dma_start3A_53] : memref<32x125x80xi32, #tpu.memory_space<hbm>> -> memref<1x125x80xi32, #tpu.memory_space<hbm>>
      %dma_start3A_55 = tpu.memref_squeeze %dma_start3A_54 : memref<1x125x80xi32, #tpu.memory_space<hbm>> -> memref<125x80xi32, #tpu.memory_space<hbm>>
      %dma_start3A_56 = arith.constant 0 : i32
      %dma_start3A_57 = arith.constant 0 : i32
      %dma_start3A_58 = tpu.memref_slice %arg3[%add3A, %dma_start3A_56, %dma_start3A_57] : memref<32x125x80xi32, #tpu.memory_space<hbm>> -> memref<1x125x80xi32, #tpu.memory_space<hbm>>
      %dma_start3A_59 = tpu.memref_squeeze %dma_start3A_58 : memref<1x125x80xi32, #tpu.memory_space<hbm>> -> memref<125x80xi32, #tpu.memory_space<hbm>>
      tpu.enqueue_dma source(%dma_start3A_59 : memref<125x80xi32, #tpu.memory_space<hbm>>) target(%arg7 : memref<125x80xi32, #tpu.memory_space<vmem>>) target_semaphore(%run_scoped3A : memref<!tpu.dma_semaphore, #tpu.memory_space<semaphore_mem>>)
      %dma_wait3A = arith.constant 0 : i32
      %dma_wait3A_60 = arith.constant 0 : i32
      %dma_wait3A_61 = tpu.memref_slice %arg3[%add3A, %dma_wait3A, %dma_wait3A_60] : memref<32x125x80xi32, #tpu.memory_space<hbm>> -> memref<1x125x80xi32, #tpu.memory_space<hbm>>
      %dma_wait3A_62 = tpu.memref_squeeze %dma_wait3A_61 : memref<1x125x80xi32, #tpu.memory_space<hbm>> -> memref<125x80xi32, #tpu.memory_space<hbm>>
      %dma_wait3A_63 = arith.constant 0 : i32
      %dma_wait3A_64 = arith.constant 0 : i32
      %dma_wait3A_65 = tpu.memref_slice %arg3[%add3A, %dma_wait3A_63, %dma_wait3A_64] : memref<32x125x80xi32, #tpu.memory_space<hbm>> -> memref<1x125x80xi32, #tpu.memory_space<hbm>>
      %dma_wait3A_66 = tpu.memref_squeeze %dma_wait3A_65 : memref<1x125x80xi32, #tpu.memory_space<hbm>> -> memref<125x80xi32, #tpu.memory_space<hbm>>
      tpu.wait_dma2 semaphore(%run_scoped3A : memref<!tpu.dma_semaphore, #tpu.memory_space<semaphore_mem>>) src(%dma_wait3A_66 : memref<125x80xi32, #tpu.memory_space<hbm>>) dst(%arg7 : memref<125x80xi32, #tpu.memory_space<vmem>>)
      tpu.yield
    }) : () -> ()
    "tpu.region"() ({
      %run_scoped3A = tpu.sem_alloc : memref<!tpu.dma_semaphore, #tpu.memory_space<semaphore_mem>>
      %dma_start3A_52 = arith.constant 0 : i32
      %dma_start3A_53 = arith.constant 0 : i32
      %dma_start3A_54 = tpu.memref_slice %arg4[%add3A, %dma_start3A_52, %dma_start3A_53] : memref<32x125x80xi32, #tpu.memory_space<hbm>> -> memref<1x125x80xi32, #tpu.memory_space<hbm>>
      %dma_start3A_55 = tpu.memref_squeeze %dma_start3A_54 : memref<1x125x80xi32, #tpu.memory_space<hbm>> -> memref<125x80xi32, #tpu.memory_space<hbm>>
      %dma_start3A_56 = arith.constant 0 : i32
      %dma_start3A_57 = arith.constant 0 : i32
      %dma_start3A_58 = tpu.memref_slice %arg4[%add3A, %dma_start3A_56, %dma_start3A_57] : memref<32x125x80xi32, #tpu.memory_space<hbm>> -> memref<1x125x80xi32, #tpu.memory_space<hbm>>
      %dma_start3A_59 = tpu.memref_squeeze %dma_start3A_58 : memref<1x125x80xi32, #tpu.memory_space<hbm>> -> memref<125x80xi32, #tpu.memory_space<hbm>>
      tpu.enqueue_dma source(%dma_start3A_59 : memref<125x80xi32, #tpu.memory_space<hbm>>) target(%arg8 : memref<125x80xi32, #tpu.memory_space<vmem>>) target_semaphore(%run_scoped3A : memref<!tpu.dma_semaphore, #tpu.memory_space<semaphore_mem>>)
      %dma_wait3A = arith.constant 0 : i32
      %dma_wait3A_60 = arith.constant 0 : i32
      %dma_wait3A_61 = tpu.memref_slice %arg4[%add3A, %dma_wait3A, %dma_wait3A_60] : memref<32x125x80xi32, #tpu.memory_space<hbm>> -> memref<1x125x80xi32, #tpu.memory_space<hbm>>
      %dma_wait3A_62 = tpu.memref_squeeze %dma_wait3A_61 : memref<1x125x80xi32, #tpu.memory_space<hbm>> -> memref<125x80xi32, #tpu.memory_space<hbm>>
      %dma_wait3A_63 = arith.constant 0 : i32
      %dma_wait3A_64 = arith.constant 0 : i32
      %dma_wait3A_65 = tpu.memref_slice %arg4[%add3A, %dma_wait3A_63, %dma_wait3A_64] : memref<32x125x80xi32, #tpu.memory_space<hbm>> -> memref<1x125x80xi32, #tpu.memory_space<hbm>>
      %dma_wait3A_66 = tpu.memref_squeeze %dma_wait3A_65 : memref<1x125x80xi32, #tpu.memory_space<hbm>> -> memref<125x80xi32, #tpu.memory_space<hbm>>
      tpu.wait_dma2 semaphore(%run_scoped3A : memref<!tpu.dma_semaphore, #tpu.memory_space<semaphore_mem>>) src(%dma_wait3A_66 : memref<125x80xi32, #tpu.memory_space<hbm>>) dst(%arg8 : memref<125x80xi32, #tpu.memory_space<vmem>>)
      tpu.yield
    }) : () -> ()
    %dma_start3A = arith.constant 0 : i32
    %dma_start3A_5 = arith.constant 0 : i32
    %dma_start3A_6 = tpu.memref_slice %arg7[%dma_start3A, %dma_start3A_5] : memref<125x80xi32, #tpu.memory_space<vmem>> -> memref<1x80xi32, #tpu.memory_space<vmem>>
    %dma_start3A_7 = tpu.memref_squeeze %dma_start3A_6 : memref<1x80xi32, #tpu.memory_space<vmem>> -> memref<80xi32, #tpu.memory_space<vmem>>
    %dma_start3A_8 = arith.constant 0 : i32
    %dma_start3A_9 = arith.constant 0 : i32
    %dma_start3A_10 = tpu.memref_slice %arg2[%dma_start3A_8, %dma_start3A_9] : memref<10000x64xf32, #tpu.memory_space<hbm>> -> memref<10000x64xf32, #tpu.memory_space<hbm>>
    tpu.enqueue_indirect_dma source(%dma_start3A_10 : memref<10000x64xf32, #tpu.memory_space<hbm>>) target(%arg9 : memref<80x64xf32, #tpu.memory_space<vmem>>) offsets(%dma_start3A_7 : memref<80xi32, #tpu.memory_space<vmem>>) semaphore(%arg15 : memref<!tpu.dma_semaphore, #tpu.memory_space<semaphore_mem>>)
    %dma_start3A_11 = arith.constant 1 : i32
    %dma_start3A_12 = arith.constant 0 : i32
    %dma_start3A_13 = tpu.memref_slice %arg7[%dma_start3A_11, %dma_start3A_12] : memref<125x80xi32, #tpu.memory_space<vmem>> -> memref<1x80xi32, #tpu.memory_space<vmem>>
    %dma_start3A_14 = tpu.memref_squeeze %dma_start3A_13 : memref<1x80xi32, #tpu.memory_space<vmem>> -> memref<80xi32, #tpu.memory_space<vmem>>
    %dma_start3A_15 = arith.constant 0 : i32
    %dma_start3A_16 = arith.constant 0 : i32
    %dma_start3A_17 = tpu.memref_slice %arg2[%dma_start3A_15, %dma_start3A_16] : memref<10000x64xf32, #tpu.memory_space<hbm>> -> memref<10000x64xf32, #tpu.memory_space<hbm>>
    tpu.enqueue_indirect_dma source(%dma_start3A_17 : memref<10000x64xf32, #tpu.memory_space<hbm>>) target(%arg10 : memref<80x64xf32, #tpu.memory_space<vmem>>) offsets(%dma_start3A_14 : memref<80xi32, #tpu.memory_space<vmem>>) semaphore(%arg16 : memref<!tpu.dma_semaphore, #tpu.memory_space<semaphore_mem>>)
    %dma_start3A_18 = arith.constant 2 : i32
    %dma_start3A_19 = arith.constant 0 : i32
    %dma_start3A_20 = tpu.memref_slice %arg7[%dma_start3A_18, %dma_start3A_19] : memref<125x80xi32, #tpu.memory_space<vmem>> -> memref<1x80xi32, #tpu.memory_space<vmem>>
    %dma_start3A_21 = tpu.memref_squeeze %dma_start3A_20 : memref<1x80xi32, #tpu.memory_space<vmem>> -> memref<80xi32, #tpu.memory_space<vmem>>
    %dma_start3A_22 = arith.constant 0 : i32
    %dma_start3A_23 = arith.constant 0 : i32
    %dma_start3A_24 = tpu.memref_slice %arg2[%dma_start3A_22, %dma_start3A_23] : memref<10000x64xf32, #tpu.memory_space<hbm>> -> memref<10000x64xf32, #tpu.memory_space<hbm>>
    tpu.enqueue_indirect_dma source(%dma_start3A_24 : memref<10000x64xf32, #tpu.memory_space<hbm>>) target(%arg11 : memref<80x64xf32, #tpu.memory_space<vmem>>) offsets(%dma_start3A_21 : memref<80xi32, #tpu.memory_space<vmem>>) semaphore(%arg17 : memref<!tpu.dma_semaphore, #tpu.memory_space<semaphore_mem>>)
    %dma_start3A_25 = arith.constant 3 : i32
    %dma_start3A_26 = arith.constant 0 : i32
    %dma_start3A_27 = tpu.memref_slice %arg7[%dma_start3A_25, %dma_start3A_26] : memref<125x80xi32, #tpu.memory_space<vmem>> -> memref<1x80xi32, #tpu.memory_space<vmem>>
    %dma_start3A_28 = tpu.memref_squeeze %dma_start3A_27 : memref<1x80xi32, #tpu.memory_space<vmem>> -> memref<80xi32, #tpu.memory_space<vmem>>
    %dma_start3A_29 = arith.constant 0 : i32
    %dma_start3A_30 = arith.constant 0 : i32
    %dma_start3A_31 = tpu.memref_slice %arg2[%dma_start3A_29, %dma_start3A_30] : memref<10000x64xf32, #tpu.memory_space<hbm>> -> memref<10000x64xf32, #tpu.memory_space<hbm>>
    tpu.enqueue_indirect_dma source(%dma_start3A_31 : memref<10000x64xf32, #tpu.memory_space<hbm>>) target(%arg12 : memref<80x64xf32, #tpu.memory_space<vmem>>) offsets(%dma_start3A_28 : memref<80xi32, #tpu.memory_space<vmem>>) semaphore(%arg18 : memref<!tpu.dma_semaphore, #tpu.memory_space<semaphore_mem>>)
    %dma_start3A_32 = arith.constant 4 : i32
    %dma_start3A_33 = arith.constant 0 : i32
    %dma_start3A_34 = tpu.memref_slice %arg7[%dma_start3A_32, %dma_start3A_33] : memref<125x80xi32, #tpu.memory_space<vmem>> -> memref<1x80xi32, #tpu.memory_space<vmem>>
    %dma_start3A_35 = tpu.memref_squeeze %dma_start3A_34 : memref<1x80xi32, #tpu.memory_space<vmem>> -> memref<80xi32, #tpu.memory_space<vmem>>
    %dma_start3A_36 = arith.constant 0 : i32
    %dma_start3A_37 = arith.constant 0 : i32
    %dma_start3A_38 = tpu.memref_slice %arg2[%dma_start3A_36, %dma_start3A_37] : memref<10000x64xf32, #tpu.memory_space<hbm>> -> memref<10000x64xf32, #tpu.memory_space<hbm>>
    tpu.enqueue_indirect_dma source(%dma_start3A_38 : memref<10000x64xf32, #tpu.memory_space<hbm>>) target(%arg13 : memref<80x64xf32, #tpu.memory_space<vmem>>) offsets(%dma_start3A_35 : memref<80xi32, #tpu.memory_space<vmem>>) semaphore(%arg19 : memref<!tpu.dma_semaphore, #tpu.memory_space<semaphore_mem>>)
    %barrier3A = arith.constant 0 : index
    tpu.barrier barrier_id(%barrier3A)
    %scan3A = arith.constant 0 : i32
    %scan3A_39 = arith.constant 0 : i32
    %scan3A_40 = arith.constant 25 : i32
    %scan3A_41 = arith.addi %scan3A_39, %scan3A_40 : i32
    %scan3A_42 = arith.constant 1 : i32
    scf.for %scan3A_52 = %scan3A_39 to %scan3A_41 step %scan3A_42  : i32 {
      %mul3A_53 = arith.constant 5 : i32
      %mul3A_54 = arith.muli %scan3A_52, %mul3A_53 : i32
      %add3A_55 = arith.constant 0 : i32
      %add3A_56 = arith.addi %mul3A_54, %add3A_55 : i32
      %dma_wait3A = arith.constant 0 : i32
      %dma_wait3A_57 = tpu.memref_slice %arg7[%add3A_56, %dma_wait3A] : memref<125x80xi32, #tpu.memory_space<vmem>> -> memref<1x80xi32, #tpu.memory_space<vmem>>
      %dma_wait3A_58 = tpu.memref_squeeze %dma_wait3A_57 : memref<1x80xi32, #tpu.memory_space<vmem>> -> memref<80xi32, #tpu.memory_space<vmem>>
      %dma_wait3A_59 = arith.constant 0 : i32
      %dma_wait3A_60 = arith.constant 0 : i32
      %dma_wait3A_61 = tpu.memref_slice %arg2[%dma_wait3A_59, %dma_wait3A_60] : memref<10000x64xf32, #tpu.memory_space<hbm>> -> memref<10000x64xf32, #tpu.memory_space<hbm>>
      tpu.wait_indirect_dma semaphore(%arg15 : memref<!tpu.dma_semaphore, #tpu.memory_space<semaphore_mem>>) src(%dma_wait3A_61 : memref<10000x64xf32, #tpu.memory_space<hbm>>) dst(%arg9 : memref<80x64xf32, #tpu.memory_space<vmem>>)
      "tpu.region"() ({
        %run_scoped3A = tpu.sem_alloc : memref<!tpu.dma_semaphore, #tpu.memory_space<semaphore_mem>>
        %dma_start3A_126 = arith.constant 0 : i32
        %dma_start3A_127 = tpu.memref_slice %arg8[%add3A_56, %dma_start3A_126] : memref<125x80xi32, #tpu.memory_space<vmem>> -> memref<1x80xi32, #tpu.memory_space<vmem>>
        %dma_start3A_128 = tpu.memref_squeeze %dma_start3A_127 : memref<1x80xi32, #tpu.memory_space<vmem>> -> memref<80xi32, #tpu.memory_space<vmem>>
        %dma_start3A_129 = arith.constant 0 : i32
        %dma_start3A_130 = arith.constant 0 : i32
        %dma_start3A_131 = tpu.memref_slice %arg14[%dma_start3A_129, %dma_start3A_130] : memref<10240x64xf32, #tpu.memory_space<vmem_shared>> -> memref<10240x64xf32, #tpu.memory_space<vmem_shared>>
        tpu.enqueue_indirect_dma source(%arg9 : memref<80x64xf32, #tpu.memory_space<vmem>>) target(%dma_start3A_131 : memref<10240x64xf32, #tpu.memory_space<vmem_shared>>) offsets(%dma_start3A_128 : memref<80xi32, #tpu.memory_space<vmem>>) semaphore(%run_scoped3A : memref<!tpu.dma_semaphore, #tpu.memory_space<semaphore_mem>>) {add = true}
        %dma_wait3A_132 = arith.constant 0 : i32
        %dma_wait3A_133 = tpu.memref_slice %arg8[%add3A_56, %dma_wait3A_132] : memref<125x80xi32, #tpu.memory_space<vmem>> -> memref<1x80xi32, #tpu.memory_space<vmem>>
        %dma_wait3A_134 = tpu.memref_squeeze %dma_wait3A_133 : memref<1x80xi32, #tpu.memory_space<vmem>> -> memref<80xi32, #tpu.memory_space<vmem>>
        %dma_wait3A_135 = arith.constant 0 : i32
        %dma_wait3A_136 = arith.constant 0 : i32
        %dma_wait3A_137 = tpu.memref_slice %arg14[%dma_wait3A_135, %dma_wait3A_136] : memref<10240x64xf32, #tpu.memory_space<vmem_shared>> -> memref<10240x64xf32, #tpu.memory_space<vmem_shared>>
        tpu.wait_indirect_dma semaphore(%run_scoped3A : memref<!tpu.dma_semaphore, #tpu.memory_space<semaphore_mem>>) src(%arg9 : memref<80x64xf32, #tpu.memory_space<vmem>>) dst(%dma_wait3A_137 : memref<10240x64xf32, #tpu.memory_space<vmem_shared>>)
        tpu.yield
      }) : () -> ()
      %add3A_62 = arith.constant 5 : i32
      %add3A_63 = arith.addi %add3A_56, %add3A_62 : i32
      %lt3A = arith.constant 125 : i32
      %lt3A_64 = arith.cmpi slt, %add3A_63, %lt3A : i32
      %convert_element_type3A = arith.extui %lt3A_64 : i1 to i32
      %cond3A = arith.constant 0 : i32
      %cond3A_65 = arith.cmpi ne, %convert_element_type3A, %cond3A : i32
      scf.if %cond3A_65 {
        %add3A_126 = arith.constant 5 : i32
        %add3A_127 = arith.addi %add3A_56, %add3A_126 : i32
        %dma_start3A_128 = arith.constant 0 : i32
        %dma_start3A_129 = tpu.memref_slice %arg7[%add3A_127, %dma_start3A_128] : memref<125x80xi32, #tpu.memory_space<vmem>> -> memref<1x80xi32, #tpu.memory_space<vmem>>
        %dma_start3A_130 = tpu.memref_squeeze %dma_start3A_129 : memref<1x80xi32, #tpu.memory_space<vmem>> -> memref<80xi32, #tpu.memory_space<vmem>>
        %dma_start3A_131 = arith.constant 0 : i32
        %dma_start3A_132 = arith.constant 0 : i32
        %dma_start3A_133 = tpu.memref_slice %arg2[%dma_start3A_131, %dma_start3A_132] : memref<10000x64xf32, #tpu.memory_space<hbm>> -> memref<10000x64xf32, #tpu.memory_space<hbm>>
        tpu.enqueue_indirect_dma source(%dma_start3A_133 : memref<10000x64xf32, #tpu.memory_space<hbm>>) target(%arg9 : memref<80x64xf32, #tpu.memory_space<vmem>>) offsets(%dma_start3A_130 : memref<80xi32, #tpu.memory_space<vmem>>) semaphore(%arg15 : memref<!tpu.dma_semaphore, #tpu.memory_space<semaphore_mem>>)
      } else {
      }
      %add3A_66 = arith.constant 1 : i32
      %add3A_67 = arith.addi %mul3A_54, %add3A_66 : i32
      %dma_wait3A_68 = arith.constant 0 : i32
      %dma_wait3A_69 = tpu.memref_slice %arg7[%add3A_67, %dma_wait3A_68] : memref<125x80xi32, #tpu.memory_space<vmem>> -> memref<1x80xi32, #tpu.memory_space<vmem>>
      %dma_wait3A_70 = tpu.memref_squeeze %dma_wait3A_69 : memref<1x80xi32, #tpu.memory_space<vmem>> -> memref<80xi32, #tpu.memory_space<vmem>>
      %dma_wait3A_71 = arith.constant 0 : i32
      %dma_wait3A_72 = arith.constant 0 : i32
      %dma_wait3A_73 = tpu.memref_slice %arg2[%dma_wait3A_71, %dma_wait3A_72] : memref<10000x64xf32, #tpu.memory_space<hbm>> -> memref<10000x64xf32, #tpu.memory_space<hbm>>
      tpu.wait_indirect_dma semaphore(%arg16 : memref<!tpu.dma_semaphore, #tpu.memory_space<semaphore_mem>>) src(%dma_wait3A_73 : memref<10000x64xf32, #tpu.memory_space<hbm>>) dst(%arg10 : memref<80x64xf32, #tpu.memory_space<vmem>>)
      "tpu.region"() ({
        %run_scoped3A = tpu.sem_alloc : memref<!tpu.dma_semaphore, #tpu.memory_space<semaphore_mem>>
        %dma_start3A_126 = arith.constant 0 : i32
        %dma_start3A_127 = tpu.memref_slice %arg8[%add3A_67, %dma_start3A_126] : memref<125x80xi32, #tpu.memory_space<vmem>> -> memref<1x80xi32, #tpu.memory_space<vmem>>
        %dma_start3A_128 = tpu.memref_squeeze %dma_start3A_127 : memref<1x80xi32, #tpu.memory_space<vmem>> -> memref<80xi32, #tpu.memory_space<vmem>>
        %dma_start3A_129 = arith.constant 0 : i32
        %dma_start3A_130 = arith.constant 0 : i32
        %dma_start3A_131 = tpu.memref_slice %arg14[%dma_start3A_129, %dma_start3A_130] : memref<10240x64xf32, #tpu.memory_space<vmem_shared>> -> memref<10240x64xf32, #tpu.memory_space<vmem_shared>>
        tpu.enqueue_indirect_dma source(%arg10 : memref<80x64xf32, #tpu.memory_space<vmem>>) target(%dma_start3A_131 : memref<10240x64xf32, #tpu.memory_space<vmem_shared>>) offsets(%dma_start3A_128 : memref<80xi32, #tpu.memory_space<vmem>>) semaphore(%run_scoped3A : memref<!tpu.dma_semaphore, #tpu.memory_space<semaphore_mem>>) {add = true}
        %dma_wait3A_132 = arith.constant 0 : i32
        %dma_wait3A_133 = tpu.memref_slice %arg8[%add3A_67, %dma_wait3A_132] : memref<125x80xi32, #tpu.memory_space<vmem>> -> memref<1x80xi32, #tpu.memory_space<vmem>>
        %dma_wait3A_134 = tpu.memref_squeeze %dma_wait3A_133 : memref<1x80xi32, #tpu.memory_space<vmem>> -> memref<80xi32, #tpu.memory_space<vmem>>
        %dma_wait3A_135 = arith.constant 0 : i32
        %dma_wait3A_136 = arith.constant 0 : i32
        %dma_wait3A_137 = tpu.memref_slice %arg14[%dma_wait3A_135, %dma_wait3A_136] : memref<10240x64xf32, #tpu.memory_space<vmem_shared>> -> memref<10240x64xf32, #tpu.memory_space<vmem_shared>>
        tpu.wait_indirect_dma semaphore(%run_scoped3A : memref<!tpu.dma_semaphore, #tpu.memory_space<semaphore_mem>>) src(%arg10 : memref<80x64xf32, #tpu.memory_space<vmem>>) dst(%dma_wait3A_137 : memref<10240x64xf32, #tpu.memory_space<vmem_shared>>)
        tpu.yield
      }) : () -> ()
      %add3A_74 = arith.constant 5 : i32
      %add3A_75 = arith.addi %add3A_67, %add3A_74 : i32
      %lt3A_76 = arith.constant 125 : i32
      %lt3A_77 = arith.cmpi slt, %add3A_75, %lt3A_76 : i32
      %convert_element_type3A_78 = arith.extui %lt3A_77 : i1 to i32
      %cond3A_79 = arith.constant 0 : i32
      %cond3A_80 = arith.cmpi ne, %convert_element_type3A_78, %cond3A_79 : i32
      scf.if %cond3A_80 {
        %add3A_126 = arith.constant 5 : i32
        %add3A_127 = arith.addi %add3A_67, %add3A_126 : i32
        %dma_start3A_128 = arith.constant 0 : i32
        %dma_start3A_129 = tpu.memref_slice %arg7[%add3A_127, %dma_start3A_128] : memref<125x80xi32, #tpu.memory_space<vmem>> -> memref<1x80xi32, #tpu.memory_space<vmem>>
        %dma_start3A_130 = tpu.memref_squeeze %dma_start3A_129 : memref<1x80xi32, #tpu.memory_space<vmem>> -> memref<80xi32, #tpu.memory_space<vmem>>
        %dma_start3A_131 = arith.constant 0 : i32
        %dma_start3A_132 = arith.constant 0 : i32
        %dma_start3A_133 = tpu.memref_slice %arg2[%dma_start3A_131, %dma_start3A_132] : memref<10000x64xf32, #tpu.memory_space<hbm>> -> memref<10000x64xf32, #tpu.memory_space<hbm>>
        tpu.enqueue_indirect_dma source(%dma_start3A_133 : memref<10000x64xf32, #tpu.memory_space<hbm>>) target(%arg10 : memref<80x64xf32, #tpu.memory_space<vmem>>) offsets(%dma_start3A_130 : memref<80xi32, #tpu.memory_space<vmem>>) semaphore(%arg16 : memref<!tpu.dma_semaphore, #tpu.memory_space<semaphore_mem>>)
      } else {
      }
      %add3A_81 = arith.constant 2 : i32
      %add3A_82 = arith.addi %mul3A_54, %add3A_81 : i32
      %dma_wait3A_83 = arith.constant 0 : i32
      %dma_wait3A_84 = tpu.memref_slice %arg7[%add3A_82, %dma_wait3A_83] : memref<125x80xi32, #tpu.memory_space<vmem>> -> memref<1x80xi32, #tpu.memory_space<vmem>>
      %dma_wait3A_85 = tpu.memref_squeeze %dma_wait3A_84 : memref<1x80xi32, #tpu.memory_space<vmem>> -> memref<80xi32, #tpu.memory_space<vmem>>
      %dma_wait3A_86 = arith.constant 0 : i32
      %dma_wait3A_87 = arith.constant 0 : i32
      %dma_wait3A_88 = tpu.memref_slice %arg2[%dma_wait3A_86, %dma_wait3A_87] : memref<10000x64xf32, #tpu.memory_space<hbm>> -> memref<10000x64xf32, #tpu.memory_space<hbm>>
      tpu.wait_indirect_dma semaphore(%arg17 : memref<!tpu.dma_semaphore, #tpu.memory_space<semaphore_mem>>) src(%dma_wait3A_88 : memref<10000x64xf32, #tpu.memory_space<hbm>>) dst(%arg11 : memref<80x64xf32, #tpu.memory_space<vmem>>)
      "tpu.region"() ({
        %run_scoped3A = tpu.sem_alloc : memref<!tpu.dma_semaphore, #tpu.memory_space<semaphore_mem>>
        %dma_start3A_126 = arith.constant 0 : i32
        %dma_start3A_127 = tpu.memref_slice %arg8[%add3A_82, %dma_start3A_126] : memref<125x80xi32, #tpu.memory_space<vmem>> -> memref<1x80xi32, #tpu.memory_space<vmem>>
        %dma_start3A_128 = tpu.memref_squeeze %dma_start3A_127 : memref<1x80xi32, #tpu.memory_space<vmem>> -> memref<80xi32, #tpu.memory_space<vmem>>
        %dma_start3A_129 = arith.constant 0 : i32
        %dma_start3A_130 = arith.constant 0 : i32
        %dma_start3A_131 = tpu.memref_slice %arg14[%dma_start3A_129, %dma_start3A_130] : memref<10240x64xf32, #tpu.memory_space<vmem_shared>> -> memref<10240x64xf32, #tpu.memory_space<vmem_shared>>
        tpu.enqueue_indirect_dma source(%arg11 : memref<80x64xf32, #tpu.memory_space<vmem>>) target(%dma_start3A_131 : memref<10240x64xf32, #tpu.memory_space<vmem_shared>>) offsets(%dma_start3A_128 : memref<80xi32, #tpu.memory_space<vmem>>) semaphore(%run_scoped3A : memref<!tpu.dma_semaphore, #tpu.memory_space<semaphore_mem>>) {add = true}
        %dma_wait3A_132 = arith.constant 0 : i32
        %dma_wait3A_133 = tpu.memref_slice %arg8[%add3A_82, %dma_wait3A_132] : memref<125x80xi32, #tpu.memory_space<vmem>> -> memref<1x80xi32, #tpu.memory_space<vmem>>
        %dma_wait3A_134 = tpu.memref_squeeze %dma_wait3A_133 : memref<1x80xi32, #tpu.memory_space<vmem>> -> memref<80xi32, #tpu.memory_space<vmem>>
        %dma_wait3A_135 = arith.constant 0 : i32
        %dma_wait3A_136 = arith.constant 0 : i32
        %dma_wait3A_137 = tpu.memref_slice %arg14[%dma_wait3A_135, %dma_wait3A_136] : memref<10240x64xf32, #tpu.memory_space<vmem_shared>> -> memref<10240x64xf32, #tpu.memory_space<vmem_shared>>
        tpu.wait_indirect_dma semaphore(%run_scoped3A : memref<!tpu.dma_semaphore, #tpu.memory_space<semaphore_mem>>) src(%arg11 : memref<80x64xf32, #tpu.memory_space<vmem>>) dst(%dma_wait3A_137 : memref<10240x64xf32, #tpu.memory_space<vmem_shared>>)
        tpu.yield
      }) : () -> ()
      %add3A_89 = arith.constant 5 : i32
      %add3A_90 = arith.addi %add3A_82, %add3A_89 : i32
      %lt3A_91 = arith.constant 125 : i32
      %lt3A_92 = arith.cmpi slt, %add3A_90, %lt3A_91 : i32
      %convert_element_type3A_93 = arith.extui %lt3A_92 : i1 to i32
      %cond3A_94 = arith.constant 0 : i32
      %cond3A_95 = arith.cmpi ne, %convert_element_type3A_93, %cond3A_94 : i32
      scf.if %cond3A_95 {
        %add3A_126 = arith.constant 5 : i32
        %add3A_127 = arith.addi %add3A_82, %add3A_126 : i32
        %dma_start3A_128 = arith.constant 0 : i32
        %dma_start3A_129 = tpu.memref_slice %arg7[%add3A_127, %dma_start3A_128] : memref<125x80xi32, #tpu.memory_space<vmem>> -> memref<1x80xi32, #tpu.memory_space<vmem>>
        %dma_start3A_130 = tpu.memref_squeeze %dma_start3A_129 : memref<1x80xi32, #tpu.memory_space<vmem>> -> memref<80xi32, #tpu.memory_space<vmem>>
        %dma_start3A_131 = arith.constant 0 : i32
        %dma_start3A_132 = arith.constant 0 : i32
        %dma_start3A_133 = tpu.memref_slice %arg2[%dma_start3A_131, %dma_start3A_132] : memref<10000x64xf32, #tpu.memory_space<hbm>> -> memref<10000x64xf32, #tpu.memory_space<hbm>>
        tpu.enqueue_indirect_dma source(%dma_start3A_133 : memref<10000x64xf32, #tpu.memory_space<hbm>>) target(%arg11 : memref<80x64xf32, #tpu.memory_space<vmem>>) offsets(%dma_start3A_130 : memref<80xi32, #tpu.memory_space<vmem>>) semaphore(%arg17 : memref<!tpu.dma_semaphore, #tpu.memory_space<semaphore_mem>>)
      } else {
      }
      %add3A_96 = arith.constant 3 : i32
      %add3A_97 = arith.addi %mul3A_54, %add3A_96 : i32
      %dma_wait3A_98 = arith.constant 0 : i32
      %dma_wait3A_99 = tpu.memref_slice %arg7[%add3A_97, %dma_wait3A_98] : memref<125x80xi32, #tpu.memory_space<vmem>> -> memref<1x80xi32, #tpu.memory_space<vmem>>
      %dma_wait3A_100 = tpu.memref_squeeze %dma_wait3A_99 : memref<1x80xi32, #tpu.memory_space<vmem>> -> memref<80xi32, #tpu.memory_space<vmem>>
      %dma_wait3A_101 = arith.constant 0 : i32
      %dma_wait3A_102 = arith.constant 0 : i32
      %dma_wait3A_103 = tpu.memref_slice %arg2[%dma_wait3A_101, %dma_wait3A_102] : memref<10000x64xf32, #tpu.memory_space<hbm>> -> memref<10000x64xf32, #tpu.memory_space<hbm>>
      tpu.wait_indirect_dma semaphore(%arg18 : memref<!tpu.dma_semaphore, #tpu.memory_space<semaphore_mem>>) src(%dma_wait3A_103 : memref<10000x64xf32, #tpu.memory_space<hbm>>) dst(%arg12 : memref<80x64xf32, #tpu.memory_space<vmem>>)
      "tpu.region"() ({
        %run_scoped3A = tpu.sem_alloc : memref<!tpu.dma_semaphore, #tpu.memory_space<semaphore_mem>>
        %dma_start3A_126 = arith.constant 0 : i32
        %dma_start3A_127 = tpu.memref_slice %arg8[%add3A_97, %dma_start3A_126] : memref<125x80xi32, #tpu.memory_space<vmem>> -> memref<1x80xi32, #tpu.memory_space<vmem>>
        %dma_start3A_128 = tpu.memref_squeeze %dma_start3A_127 : memref<1x80xi32, #tpu.memory_space<vmem>> -> memref<80xi32, #tpu.memory_space<vmem>>
        %dma_start3A_129 = arith.constant 0 : i32
        %dma_start3A_130 = arith.constant 0 : i32
        %dma_start3A_131 = tpu.memref_slice %arg14[%dma_start3A_129, %dma_start3A_130] : memref<10240x64xf32, #tpu.memory_space<vmem_shared>> -> memref<10240x64xf32, #tpu.memory_space<vmem_shared>>
        tpu.enqueue_indirect_dma source(%arg12 : memref<80x64xf32, #tpu.memory_space<vmem>>) target(%dma_start3A_131 : memref<10240x64xf32, #tpu.memory_space<vmem_shared>>) offsets(%dma_start3A_128 : memref<80xi32, #tpu.memory_space<vmem>>) semaphore(%run_scoped3A : memref<!tpu.dma_semaphore, #tpu.memory_space<semaphore_mem>>) {add = true}
        %dma_wait3A_132 = arith.constant 0 : i32
        %dma_wait3A_133 = tpu.memref_slice %arg8[%add3A_97, %dma_wait3A_132] : memref<125x80xi32, #tpu.memory_space<vmem>> -> memref<1x80xi32, #tpu.memory_space<vmem>>
        %dma_wait3A_134 = tpu.memref_squeeze %dma_wait3A_133 : memref<1x80xi32, #tpu.memory_space<vmem>> -> memref<80xi32, #tpu.memory_space<vmem>>
        %dma_wait3A_135 = arith.constant 0 : i32
        %dma_wait3A_136 = arith.constant 0 : i32
        %dma_wait3A_137 = tpu.memref_slice %arg14[%dma_wait3A_135, %dma_wait3A_136] : memref<10240x64xf32, #tpu.memory_space<vmem_shared>> -> memref<10240x64xf32, #tpu.memory_space<vmem_shared>>
        tpu.wait_indirect_dma semaphore(%run_scoped3A : memref<!tpu.dma_semaphore, #tpu.memory_space<semaphore_mem>>) src(%arg12 : memref<80x64xf32, #tpu.memory_space<vmem>>) dst(%dma_wait3A_137 : memref<10240x64xf32, #tpu.memory_space<vmem_shared>>)
        tpu.yield
      }) : () -> ()
      %add3A_104 = arith.constant 5 : i32
      %add3A_105 = arith.addi %add3A_97, %add3A_104 : i32
      %lt3A_106 = arith.constant 125 : i32
      %lt3A_107 = arith.cmpi slt, %add3A_105, %lt3A_106 : i32
      %convert_element_type3A_108 = arith.extui %lt3A_107 : i1 to i32
      %cond3A_109 = arith.constant 0 : i32
      %cond3A_110 = arith.cmpi ne, %convert_element_type3A_108, %cond3A_109 : i32
      scf.if %cond3A_110 {
        %add3A_126 = arith.constant 5 : i32
        %add3A_127 = arith.addi %add3A_97, %add3A_126 : i32
        %dma_start3A_128 = arith.constant 0 : i32
        %dma_start3A_129 = tpu.memref_slice %arg7[%add3A_127, %dma_start3A_128] : memref<125x80xi32, #tpu.memory_space<vmem>> -> memref<1x80xi32, #tpu.memory_space<vmem>>
        %dma_start3A_130 = tpu.memref_squeeze %dma_start3A_129 : memref<1x80xi32, #tpu.memory_space<vmem>> -> memref<80xi32, #tpu.memory_space<vmem>>
        %dma_start3A_131 = arith.constant 0 : i32
        %dma_start3A_132 = arith.constant 0 : i32
        %dma_start3A_133 = tpu.memref_slice %arg2[%dma_start3A_131, %dma_start3A_132] : memref<10000x64xf32, #tpu.memory_space<hbm>> -> memref<10000x64xf32, #tpu.memory_space<hbm>>
        tpu.enqueue_indirect_dma source(%dma_start3A_133 : memref<10000x64xf32, #tpu.memory_space<hbm>>) target(%arg12 : memref<80x64xf32, #tpu.memory_space<vmem>>) offsets(%dma_start3A_130 : memref<80xi32, #tpu.memory_space<vmem>>) semaphore(%arg18 : memref<!tpu.dma_semaphore, #tpu.memory_space<semaphore_mem>>)
      } else {
      }
      %add3A_111 = arith.constant 4 : i32
      %add3A_112 = arith.addi %mul3A_54, %add3A_111 : i32
      %dma_wait3A_113 = arith.constant 0 : i32
      %dma_wait3A_114 = tpu.memref_slice %arg7[%add3A_112, %dma_wait3A_113] : memref<125x80xi32, #tpu.memory_space<vmem>> -> memref<1x80xi32, #tpu.memory_space<vmem>>
      %dma_wait3A_115 = tpu.memref_squeeze %dma_wait3A_114 : memref<1x80xi32, #tpu.memory_space<vmem>> -> memref<80xi32, #tpu.memory_space<vmem>>
      %dma_wait3A_116 = arith.constant 0 : i32
      %dma_wait3A_117 = arith.constant 0 : i32
      %dma_wait3A_118 = tpu.memref_slice %arg2[%dma_wait3A_116, %dma_wait3A_117] : memref<10000x64xf32, #tpu.memory_space<hbm>> -> memref<10000x64xf32, #tpu.memory_space<hbm>>
      tpu.wait_indirect_dma semaphore(%arg19 : memref<!tpu.dma_semaphore, #tpu.memory_space<semaphore_mem>>) src(%dma_wait3A_118 : memref<10000x64xf32, #tpu.memory_space<hbm>>) dst(%arg13 : memref<80x64xf32, #tpu.memory_space<vmem>>)
      "tpu.region"() ({
        %run_scoped3A = tpu.sem_alloc : memref<!tpu.dma_semaphore, #tpu.memory_space<semaphore_mem>>
        %dma_start3A_126 = arith.constant 0 : i32
        %dma_start3A_127 = tpu.memref_slice %arg8[%add3A_112, %dma_start3A_126] : memref<125x80xi32, #tpu.memory_space<vmem>> -> memref<1x80xi32, #tpu.memory_space<vmem>>
        %dma_start3A_128 = tpu.memref_squeeze %dma_start3A_127 : memref<1x80xi32, #tpu.memory_space<vmem>> -> memref<80xi32, #tpu.memory_space<vmem>>
        %dma_start3A_129 = arith.constant 0 : i32
        %dma_start3A_130 = arith.constant 0 : i32
        %dma_start3A_131 = tpu.memref_slice %arg14[%dma_start3A_129, %dma_start3A_130] : memref<10240x64xf32, #tpu.memory_space<vmem_shared>> -> memref<10240x64xf32, #tpu.memory_space<vmem_shared>>
        tpu.enqueue_indirect_dma source(%arg13 : memref<80x64xf32, #tpu.memory_space<vmem>>) target(%dma_start3A_131 : memref<10240x64xf32, #tpu.memory_space<vmem_shared>>) offsets(%dma_start3A_128 : memref<80xi32, #tpu.memory_space<vmem>>) semaphore(%run_scoped3A : memref<!tpu.dma_semaphore, #tpu.memory_space<semaphore_mem>>) {add = true}
        %dma_wait3A_132 = arith.constant 0 : i32
        %dma_wait3A_133 = tpu.memref_slice %arg8[%add3A_112, %dma_wait3A_132] : memref<125x80xi32, #tpu.memory_space<vmem>> -> memref<1x80xi32, #tpu.memory_space<vmem>>
        %dma_wait3A_134 = tpu.memref_squeeze %dma_wait3A_133 : memref<1x80xi32, #tpu.memory_space<vmem>> -> memref<80xi32, #tpu.memory_space<vmem>>
        %dma_wait3A_135 = arith.constant 0 : i32
        %dma_wait3A_136 = arith.constant 0 : i32
        %dma_wait3A_137 = tpu.memref_slice %arg14[%dma_wait3A_135, %dma_wait3A_136] : memref<10240x64xf32, #tpu.memory_space<vmem_shared>> -> memref<10240x64xf32, #tpu.memory_space<vmem_shared>>
        tpu.wait_indirect_dma semaphore(%run_scoped3A : memref<!tpu.dma_semaphore, #tpu.memory_space<semaphore_mem>>) src(%arg13 : memref<80x64xf32, #tpu.memory_space<vmem>>) dst(%dma_wait3A_137 : memref<10240x64xf32, #tpu.memory_space<vmem_shared>>)
        tpu.yield
      }) : () -> ()
      %add3A_119 = arith.constant 5 : i32
      %add3A_120 = arith.addi %add3A_112, %add3A_119 : i32
      %lt3A_121 = arith.constant 125 : i32
      %lt3A_122 = arith.cmpi slt, %add3A_120, %lt3A_121 : i32
      %convert_element_type3A_123 = arith.extui %lt3A_122 : i1 to i32
      %cond3A_124 = arith.constant 0 : i32
      %cond3A_125 = arith.cmpi ne, %convert_element_type3A_123, %cond3A_124 : i32
      scf.if %cond3A_125 {
        %add3A_126 = arith.constant 5 : i32
        %add3A_127 = arith.addi %add3A_112, %add3A_126 : i32
        %dma_start3A_128 = arith.constant 0 : i32
        %dma_start3A_129 = tpu.memref_slice %arg7[%add3A_127, %dma_start3A_128] : memref<125x80xi32, #tpu.memory_space<vmem>> -> memref<1x80xi32, #tpu.memory_space<vmem>>
        %dma_start3A_130 = tpu.memref_squeeze %dma_start3A_129 : memref<1x80xi32, #tpu.memory_space<vmem>> -> memref<80xi32, #tpu.memory_space<vmem>>
        %dma_start3A_131 = arith.constant 0 : i32
        %dma_start3A_132 = arith.constant 0 : i32
        %dma_start3A_133 = tpu.memref_slice %arg2[%dma_start3A_131, %dma_start3A_132] : memref<10000x64xf32, #tpu.memory_space<hbm>> -> memref<10000x64xf32, #tpu.memory_space<hbm>>
        tpu.enqueue_indirect_dma source(%dma_start3A_133 : memref<10000x64xf32, #tpu.memory_space<hbm>>) target(%arg13 : memref<80x64xf32, #tpu.memory_space<vmem>>) offsets(%dma_start3A_130 : memref<80xi32, #tpu.memory_space<vmem>>) semaphore(%arg19 : memref<!tpu.dma_semaphore, #tpu.memory_space<semaphore_mem>>)
      } else {
      }
    }
    %scan3A_43 = arith.constant 25 : i32
    %barrier3A_44 = arith.constant 0 : index
    tpu.barrier barrier_id(%barrier3A_44)
    %mul3A_45 = arith.constant 640 : i32
    %mul3A_46 = arith.muli %arg1, %mul3A_45 : i32
    %mul3A_47 = arith.constant 10240 : i32
    %mul3A_48 = arith.muli %arg0, %mul3A_47 : i32
    %mul3A_49 = arith.constant 640 : i32
    %mul3A_50 = arith.muli %arg1, %mul3A_49 : i32
    %add3A_51 = arith.addi %mul3A_48, %mul3A_50 : i32
    "tpu.region"() ({
      %run_scoped3A = tpu.sem_alloc : memref<!tpu.dma_semaphore, #tpu.memory_space<semaphore_mem>>
      %dma_start3A_52 = arith.constant 0 : i32
      %dma_start3A_53 = tpu.memref_slice %arg6[%add3A_51, %dma_start3A_52] : memref<20480x64xf32, #tpu.memory_space<hbm>> -> memref<640x64xf32, #tpu.memory_space<hbm>>
      %dma_start3A_54 = arith.constant 0 : i32
      %dma_start3A_55 = tpu.memref_slice %arg14[%mul3A_46, %dma_start3A_54] : memref<10240x64xf32, #tpu.memory_space<vmem_shared>> -> memref<640x64xf32, #tpu.memory_space<vmem_shared>>
      tpu.enqueue_dma source(%dma_start3A_55 : memref<640x64xf32, #tpu.memory_space<vmem_shared>>) target(%dma_start3A_53 : memref<640x64xf32, #tpu.memory_space<hbm>>) target_semaphore(%run_scoped3A : memref<!tpu.dma_semaphore, #tpu.memory_space<semaphore_mem>>)
      %dma_wait3A = arith.constant 0 : i32
      %dma_wait3A_56 = tpu.memref_slice %arg6[%add3A_51, %dma_wait3A] : memref<20480x64xf32, #tpu.memory_space<hbm>> -> memref<640x64xf32, #tpu.memory_space<hbm>>
      %dma_wait3A_57 = arith.constant 0 : i32
      %dma_wait3A_58 = tpu.memref_slice %arg14[%mul3A_46, %dma_wait3A_57] : memref<10240x64xf32, #tpu.memory_space<vmem_shared>> -> memref<640x64xf32, #tpu.memory_space<vmem_shared>>
      tpu.wait_dma2 semaphore(%run_scoped3A : memref<!tpu.dma_semaphore, #tpu.memory_space<semaphore_mem>>) src(%dma_wait3A_58 : memref<640x64xf32, #tpu.memory_space<vmem_shared>>) dst(%dma_wait3A_56 : memref<640x64xf32, #tpu.memory_space<hbm>>)
      tpu.yield
    }) : () -> ()
    return
  }
}

#map = affine_map<(d0, d1) -> (0, 0, 0)>
#map1 = affine_map<(d0, d1) -> (0)>
module attributes {stable_mosaic.version = 14 : i64} {
  func.func @_deg_kernel(%arg0: i32, %arg1: i32, %arg2: memref<32x125x80xi32, #tpu.memory_space<hbm>>, %arg3: memref<10240xf32, #tpu.memory_space<hbm>>, %arg4: memref<20480xf32, #tpu.memory_space<hbm>>, %arg5: memref<125x80xi32, #tpu.memory_space<vmem>>, %arg6: memref<80xf32, #tpu.memory_space<vmem>>, %arg7: memref<10240xf32, #tpu.memory_space<vmem_shared>>, %arg8: memref<!tpu.dma_semaphore, #tpu.memory_space<semaphore_mem>>) attributes {dimension_semantics = [#tpu.dimension_semantics<core_parallel>, #tpu.dimension_semantics<subcore_parallel>], iteration_bounds = array<i64: 2, 16>, scalar_prefetch = 0 : i64, scratch_operands = 4 : i64, tpu.core_type = #tpu.core_type<sc_vector_subcore>, window_params = [{transform_indices = #map}, {transform_indices = #map1}, {transform_indices = #map1}]} {
    %mul3A = arith.constant 16 : i32
    %mul3A_0 = arith.muli %arg0, %mul3A : i32
    %add3A = arith.addi %mul3A_0, %arg1 : i32
    %eq3A = arith.constant 0 : i32
    %eq3A_1 = arith.cmpi eq, %arg1, %eq3A : i32
    %convert_element_type3A = arith.extui %eq3A_1 : i1 to i32
    %cond3A = arith.constant 0 : i32
    %cond3A_2 = arith.cmpi ne, %convert_element_type3A, %cond3A : i32
    scf.if %cond3A_2 {
      "tpu.region"() ({
        %run_scoped3A = tpu.sem_alloc : memref<!tpu.dma_semaphore, #tpu.memory_space<semaphore_mem>>
        tpu.enqueue_dma source(%arg3 : memref<10240xf32, #tpu.memory_space<hbm>>) target(%arg7 : memref<10240xf32, #tpu.memory_space<vmem_shared>>) target_semaphore(%run_scoped3A : memref<!tpu.dma_semaphore, #tpu.memory_space<semaphore_mem>>)
        tpu.wait_dma2 semaphore(%run_scoped3A : memref<!tpu.dma_semaphore, #tpu.memory_space<semaphore_mem>>) src(%arg3 : memref<10240xf32, #tpu.memory_space<hbm>>) dst(%arg7 : memref<10240xf32, #tpu.memory_space<vmem_shared>>)
        tpu.yield
      }) : () -> ()
    } else {
    }
    %broadcast_in_dim3A = arith.constant 1.000000e+00 : f32
    %broadcast_in_dim3A_3 = vector.broadcast %broadcast_in_dim3A : f32 to vector<16xf32>
    %swap3A = arith.constant 0 : index
    %swap3A_4 = tpu.vector_load %arg6[%swap3A] {strides = array<i32>} : memref<80xf32, #tpu.memory_space<vmem>>, vector<16xf32>,
    %swap3A_5 = vector.shape_cast %swap3A_4 : vector<16xf32> to vector<16xf32>
    %swap3A_6 = vector.shape_cast %broadcast_in_dim3A_3 : vector<16xf32> to vector<16xf32>
    tpu.vector_store %arg6[%swap3A], %swap3A_6 {strides = array<i32>} : memref<80xf32, #tpu.memory_space<vmem>>, vector<16xf32>,
    %broadcast_in_dim3A_7 = arith.constant 1.000000e+00 : f32
    %broadcast_in_dim3A_8 = vector.broadcast %broadcast_in_dim3A_7 : f32 to vector<16xf32>
    %swap3A_9 = arith.constant 16 : index
    %swap3A_10 = tpu.vector_load %arg6[%swap3A_9] {strides = array<i32>} : memref<80xf32, #tpu.memory_space<vmem>>, vector<16xf32>,
    %swap3A_11 = vector.shape_cast %swap3A_10 : vector<16xf32> to vector<16xf32>
    %swap3A_12 = vector.shape_cast %broadcast_in_dim3A_8 : vector<16xf32> to vector<16xf32>
    tpu.vector_store %arg6[%swap3A_9], %swap3A_12 {strides = array<i32>} : memref<80xf32, #tpu.memory_space<vmem>>, vector<16xf32>,
    %broadcast_in_dim3A_13 = arith.constant 1.000000e+00 : f32
    %broadcast_in_dim3A_14 = vector.broadcast %broadcast_in_dim3A_13 : f32 to vector<16xf32>
    %swap3A_15 = arith.constant 32 : index
    %swap3A_16 = tpu.vector_load %arg6[%swap3A_15] {strides = array<i32>} : memref<80xf32, #tpu.memory_space<vmem>>, vector<16xf32>,
    %swap3A_17 = vector.shape_cast %swap3A_16 : vector<16xf32> to vector<16xf32>
    %swap3A_18 = vector.shape_cast %broadcast_in_dim3A_14 : vector<16xf32> to vector<16xf32>
    tpu.vector_store %arg6[%swap3A_15], %swap3A_18 {strides = array<i32>} : memref<80xf32, #tpu.memory_space<vmem>>, vector<16xf32>,
    %broadcast_in_dim3A_19 = arith.constant 1.000000e+00 : f32
    %broadcast_in_dim3A_20 = vector.broadcast %broadcast_in_dim3A_19 : f32 to vector<16xf32>
    %swap3A_21 = arith.constant 48 : index
    %swap3A_22 = tpu.vector_load %arg6[%swap3A_21] {strides = array<i32>} : memref<80xf32, #tpu.memory_space<vmem>>, vector<16xf32>,
    %swap3A_23 = vector.shape_cast %swap3A_22 : vector<16xf32> to vector<16xf32>
    %swap3A_24 = vector.shape_cast %broadcast_in_dim3A_20 : vector<16xf32> to vector<16xf32>
    tpu.vector_store %arg6[%swap3A_21], %swap3A_24 {strides = array<i32>} : memref<80xf32, #tpu.memory_space<vmem>>, vector<16xf32>,
    %broadcast_in_dim3A_25 = arith.constant 1.000000e+00 : f32
    %broadcast_in_dim3A_26 = vector.broadcast %broadcast_in_dim3A_25 : f32 to vector<16xf32>
    %swap3A_27 = arith.constant 64 : index
    %swap3A_28 = tpu.vector_load %arg6[%swap3A_27] {strides = array<i32>} : memref<80xf32, #tpu.memory_space<vmem>>, vector<16xf32>,
    %swap3A_29 = vector.shape_cast %swap3A_28 : vector<16xf32> to vector<16xf32>
    %swap3A_30 = vector.shape_cast %broadcast_in_dim3A_26 : vector<16xf32> to vector<16xf32>
    tpu.vector_store %arg6[%swap3A_27], %swap3A_30 {strides = array<i32>} : memref<80xf32, #tpu.memory_space<vmem>>, vector<16xf32>,
    "tpu.region"() ({
      %run_scoped3A = tpu.sem_alloc : memref<!tpu.dma_semaphore, #tpu.memory_space<semaphore_mem>>
      %dma_start3A = arith.constant 0 : i32
      %dma_start3A_48 = arith.constant 0 : i32
      %dma_start3A_49 = tpu.memref_slice %arg2[%add3A, %dma_start3A, %dma_start3A_48] : memref<32x125x80xi32, #tpu.memory_space<hbm>> -> memref<1x125x80xi32, #tpu.memory_space<hbm>>
      %dma_start3A_50 = tpu.memref_squeeze %dma_start3A_49 : memref<1x125x80xi32, #tpu.memory_space<hbm>> -> memref<125x80xi32, #tpu.memory_space<hbm>>
      %dma_start3A_51 = arith.constant 0 : i32
      %dma_start3A_52 = arith.constant 0 : i32
      %dma_start3A_53 = tpu.memref_slice %arg2[%add3A, %dma_start3A_51, %dma_start3A_52] : memref<32x125x80xi32, #tpu.memory_space<hbm>> -> memref<1x125x80xi32, #tpu.memory_space<hbm>>
      %dma_start3A_54 = tpu.memref_squeeze %dma_start3A_53 : memref<1x125x80xi32, #tpu.memory_space<hbm>> -> memref<125x80xi32, #tpu.memory_space<hbm>>
      tpu.enqueue_dma source(%dma_start3A_54 : memref<125x80xi32, #tpu.memory_space<hbm>>) target(%arg5 : memref<125x80xi32, #tpu.memory_space<vmem>>) target_semaphore(%run_scoped3A : memref<!tpu.dma_semaphore, #tpu.memory_space<semaphore_mem>>)
      %dma_wait3A = arith.constant 0 : i32
      %dma_wait3A_55 = arith.constant 0 : i32
      %dma_wait3A_56 = tpu.memref_slice %arg2[%add3A, %dma_wait3A, %dma_wait3A_55] : memref<32x125x80xi32, #tpu.memory_space<hbm>> -> memref<1x125x80xi32, #tpu.memory_space<hbm>>
      %dma_wait3A_57 = tpu.memref_squeeze %dma_wait3A_56 : memref<1x125x80xi32, #tpu.memory_space<hbm>> -> memref<125x80xi32, #tpu.memory_space<hbm>>
      %dma_wait3A_58 = arith.constant 0 : i32
      %dma_wait3A_59 = arith.constant 0 : i32
      %dma_wait3A_60 = tpu.memref_slice %arg2[%add3A, %dma_wait3A_58, %dma_wait3A_59] : memref<32x125x80xi32, #tpu.memory_space<hbm>> -> memref<1x125x80xi32, #tpu.memory_space<hbm>>
      %dma_wait3A_61 = tpu.memref_squeeze %dma_wait3A_60 : memref<1x125x80xi32, #tpu.memory_space<hbm>> -> memref<125x80xi32, #tpu.memory_space<hbm>>
      tpu.wait_dma2 semaphore(%run_scoped3A : memref<!tpu.dma_semaphore, #tpu.memory_space<semaphore_mem>>) src(%dma_wait3A_61 : memref<125x80xi32, #tpu.memory_space<hbm>>) dst(%arg5 : memref<125x80xi32, #tpu.memory_space<vmem>>)
      tpu.yield
    }) : () -> ()
    %barrier3A = arith.constant 0 : index
    tpu.barrier barrier_id(%barrier3A)
    %scan3A = arith.constant 0 : i32
    %scan3A_31 = arith.constant 0 : i32
    %scan3A_32 = arith.constant 125 : i32
    %scan3A_33 = arith.addi %scan3A_31, %scan3A_32 : i32
    %scan3A_34 = arith.constant 1 : i32
    scf.for %scan3A_48 = %scan3A_31 to %scan3A_33 step %scan3A_34  : i32 {
      %dma_start3A = arith.constant 0 : i32
      %dma_start3A_49 = tpu.memref_slice %arg5[%scan3A_48, %dma_start3A] : memref<125x80xi32, #tpu.memory_space<vmem>> -> memref<1x80xi32, #tpu.memory_space<vmem>>
      %dma_start3A_50 = tpu.memref_squeeze %dma_start3A_49 : memref<1x80xi32, #tpu.memory_space<vmem>> -> memref<80xi32, #tpu.memory_space<vmem>>
      %dma_start3A_51 = arith.constant 0 : i32
      %dma_start3A_52 = tpu.memref_slice %arg7[%dma_start3A_51] : memref<10240xf32, #tpu.memory_space<vmem_shared>> -> memref<10240xf32, #tpu.memory_space<vmem_shared>>
      tpu.enqueue_indirect_dma source(%arg6 : memref<80xf32, #tpu.memory_space<vmem>>) target(%dma_start3A_52 : memref<10240xf32, #tpu.memory_space<vmem_shared>>) offsets(%dma_start3A_50 : memref<80xi32, #tpu.memory_space<vmem>>) semaphore(%arg8 : memref<!tpu.dma_semaphore, #tpu.memory_space<semaphore_mem>>) {add = true}
    }
    %scan3A_35 = arith.constant 125 : i32
    %scan3A_36 = arith.constant 0 : i32
    %scan3A_37 = arith.constant 0 : i32
    %scan3A_38 = arith.constant 125 : i32
    %scan3A_39 = arith.addi %scan3A_37, %scan3A_38 : i32
    %scan3A_40 = arith.constant 1 : i32
    scf.for %scan3A_48 = %scan3A_37 to %scan3A_39 step %scan3A_40  : i32 {
      %dma_wait3A = arith.constant 0 : i32
      %dma_wait3A_49 = tpu.memref_slice %arg5[%scan3A_48, %dma_wait3A] : memref<125x80xi32, #tpu.memory_space<vmem>> -> memref<1x80xi32, #tpu.memory_space<vmem>>
      %dma_wait3A_50 = tpu.memref_squeeze %dma_wait3A_49 : memref<1x80xi32, #tpu.memory_space<vmem>> -> memref<80xi32, #tpu.memory_space<vmem>>
      %dma_wait3A_51 = arith.constant 0 : i32
      %dma_wait3A_52 = tpu.memref_slice %arg7[%dma_wait3A_51] : memref<10240xf32, #tpu.memory_space<vmem_shared>> -> memref<10240xf32, #tpu.memory_space<vmem_shared>>
      tpu.wait_indirect_dma semaphore(%arg8 : memref<!tpu.dma_semaphore, #tpu.memory_space<semaphore_mem>>) src(%arg6 : memref<80xf32, #tpu.memory_space<vmem>>) dst(%dma_wait3A_52 : memref<10240xf32, #tpu.memory_space<vmem_shared>>)
    }
    %scan3A_41 = arith.constant 125 : i32
    %barrier3A_42 = arith.constant 0 : index
    tpu.barrier barrier_id(%barrier3A_42)
    %eq3A_43 = arith.constant 0 : i32
    %eq3A_44 = arith.cmpi eq, %arg1, %eq3A_43 : i32
    %convert_element_type3A_45 = arith.extui %eq3A_44 : i1 to i32
    %cond3A_46 = arith.constant 0 : i32
    %cond3A_47 = arith.cmpi ne, %convert_element_type3A_45, %cond3A_46 : i32
    scf.if %cond3A_47 {
      %mul3A_48 = arith.constant 10240 : i32
      %mul3A_49 = arith.muli %arg0, %mul3A_48 : i32
      "tpu.region"() ({
        %run_scoped3A = tpu.sem_alloc : memref<!tpu.dma_semaphore, #tpu.memory_space<semaphore_mem>>
        %dma_start3A = tpu.memref_slice %arg4[%mul3A_49] : memref<20480xf32, #tpu.memory_space<hbm>> -> memref<10240xf32, #tpu.memory_space<hbm>>
        tpu.enqueue_dma source(%arg7 : memref<10240xf32, #tpu.memory_space<vmem_shared>>) target(%dma_start3A : memref<10240xf32, #tpu.memory_space<hbm>>) target_semaphore(%run_scoped3A : memref<!tpu.dma_semaphore, #tpu.memory_space<semaphore_mem>>)
        %dma_wait3A = tpu.memref_slice %arg4[%mul3A_49] : memref<20480xf32, #tpu.memory_space<hbm>> -> memref<10240xf32, #tpu.memory_space<hbm>>
        tpu.wait_dma2 semaphore(%run_scoped3A : memref<!tpu.dma_semaphore, #tpu.memory_space<semaphore_mem>>) src(%arg7 : memref<10240xf32, #tpu.memory_space<vmem_shared>>) dst(%dma_wait3A : memref<10240xf32, #tpu.memory_space<hbm>>)
        tpu.yield
      }) : () -> ()
    } else {
    }
    return
  }
}

module attributes {stable_mosaic.version = 14 : i64} {
  func.func @_tc1_body(%arg0: memref<2x10000x1xf32, #tpu.memory_space<vmem>>, %arg1: memref<10000x128xf32, #tpu.memory_space<vmem>>, %arg2: memref<128x64xf32, #tpu.memory_space<vmem>>, %arg3: memref<10000x64xf32, #tpu.memory_space<vmem>>, %arg4: memref<10000x1xf32, #tpu.memory_space<vmem>>) attributes {dimension_semantics = [], scalar_prefetch = 0 : i64, scratch_operands = 0 : i64, tpu.core_type = #tpu.core_type<tc>} {
    %get3A = arith.constant 0 : index
    %get3A_0 = arith.constant 0 : index
    %get3A_1 = arith.constant 0 : index
    %get3A_2 = vector.load %arg0[%get3A, %get3A_0, %get3A_1] : memref<2x10000x1xf32, #tpu.memory_space<vmem>>, vector<1x10000x1xf32>
    %get3A_3 = vector.shape_cast %get3A_2 : vector<1x10000x1xf32> to vector<10000x1xf32>
    %add3A = arith.constant 1.000000e+00 : f32
    %add3A_4 = vector.broadcast %add3A : f32 to vector<10000x1xf32>
    %add3A_5 = arith.addf %add3A_4, %get3A_3 : vector<10000x1xf32>
    %get3A_6 = arith.constant 1 : index
    %get3A_7 = arith.constant 0 : index
    %get3A_8 = arith.constant 0 : index
    %get3A_9 = vector.load %arg0[%get3A_6, %get3A_7, %get3A_8] : memref<2x10000x1xf32, #tpu.memory_space<vmem>>, vector<1x10000x1xf32>
    %get3A_10 = vector.shape_cast %get3A_9 : vector<1x10000x1xf32> to vector<10000x1xf32>
    %add3A_11 = arith.addf %add3A_5, %get3A_10 : vector<10000x1xf32>
    %rsqrt3A = math.rsqrt %add3A_11 : vector<10000x1xf32>
    %get3A_12 = arith.constant 0 : index
    %get3A_13 = arith.constant 0 : index
    %get3A_14 = vector.load %arg1[%get3A_12, %get3A_13] : memref<10000x128xf32, #tpu.memory_space<vmem>>, vector<10000x128xf32>
    %get3A_15 = arith.constant 0 : index
    %get3A_16 = arith.constant 0 : index
    %get3A_17 = vector.load %arg2[%get3A_15, %get3A_16] : memref<128x64xf32, #tpu.memory_space<vmem>>, vector<128x64xf32>
    %dot_general3A = arith.constant dense<0.000000e+00> : vector<10000x64xf32>
    %dot_general3A_18 = tpu.matmul %get3A_14, %get3A_17, %dot_general3A {dimension_numbers = #tpu.dot_dimension_numbers<[1], [0], [0], [1], [0, 0, 1, 1], [], []>, transpose_lhs_hint = false} : vector<10000x128xf32>, vector<128x64xf32>, vector<10000x64xf32> -> vector<10000x64xf32>
    %mul3A = vector.broadcast %rsqrt3A : vector<10000x1xf32> to vector<10000x64xf32>
    %mul3A_19 = arith.mulf %dot_general3A_18, %mul3A : vector<10000x64xf32>
    %swap3A = arith.constant 0 : index
    %swap3A_20 = arith.constant 0 : index
    %swap3A_21 = vector.load %arg3[%swap3A, %swap3A_20] : memref<10000x64xf32, #tpu.memory_space<vmem>>, vector<10000x64xf32>
    tpu.vector_store %arg3[%swap3A, %swap3A_20], %mul3A_19 {strides = array<i32>} : memref<10000x64xf32, #tpu.memory_space<vmem>>, vector<10000x64xf32>,
    %swap3A_22 = arith.constant 0 : index
    %swap3A_23 = arith.constant 0 : index
    %swap3A_24 = vector.load %arg4[%swap3A_22, %swap3A_23] : memref<10000x1xf32, #tpu.memory_space<vmem>>, vector<10000x1xf32>
    tpu.vector_store %arg4[%swap3A_22, %swap3A_23], %rsqrt3A {strides = array<i32>} : memref<10000x1xf32, #tpu.memory_space<vmem>>, vector<10000x1xf32>,
    return
  }
}

module attributes {stable_mosaic.version = 14 : i64} {
  func.func @_tc2_body(%arg0: memref<2x10000x64xf32, #tpu.memory_space<vmem>>, %arg1: memref<10000x64xf32, #tpu.memory_space<vmem>>, %arg2: memref<10000x1xf32, #tpu.memory_space<vmem>>, %arg3: memref<64x64xf32, #tpu.memory_space<vmem>>, %arg4: memref<1x64xf32, #tpu.memory_space<vmem>>, %arg5: memref<10000x64xf32, #tpu.memory_space<vmem>>) attributes {dimension_semantics = [], scalar_prefetch = 0 : i64, scratch_operands = 0 : i64, tpu.core_type = #tpu.core_type<tc>} {
    %get3A = arith.constant 0 : index
    %get3A_0 = arith.constant 0 : index
    %get3A_1 = arith.constant 0 : index
    %get3A_2 = vector.load %arg0[%get3A, %get3A_0, %get3A_1] : memref<2x10000x64xf32, #tpu.memory_space<vmem>>, vector<1x10000x64xf32>
    %get3A_3 = vector.shape_cast %get3A_2 : vector<1x10000x64xf32> to vector<10000x64xf32>
    %get3A_4 = arith.constant 1 : index
    %get3A_5 = arith.constant 0 : index
    %get3A_6 = arith.constant 0 : index
    %get3A_7 = vector.load %arg0[%get3A_4, %get3A_5, %get3A_6] : memref<2x10000x64xf32, #tpu.memory_space<vmem>>, vector<1x10000x64xf32>
    %get3A_8 = vector.shape_cast %get3A_7 : vector<1x10000x64xf32> to vector<10000x64xf32>
    %add3A = arith.addf %get3A_3, %get3A_8 : vector<10000x64xf32>
    %get3A_9 = arith.constant 0 : index
    %get3A_10 = arith.constant 0 : index
    %get3A_11 = vector.load %arg1[%get3A_9, %get3A_10] : memref<10000x64xf32, #tpu.memory_space<vmem>>, vector<10000x64xf32>
    %add3A_12 = arith.addf %add3A, %get3A_11 : vector<10000x64xf32>
    %get3A_13 = arith.constant 0 : index
    %get3A_14 = arith.constant 0 : index
    %get3A_15 = vector.load %arg2[%get3A_13, %get3A_14] : memref<10000x1xf32, #tpu.memory_space<vmem>>, vector<10000x1xf32>
    %mul3A = vector.broadcast %get3A_15 : vector<10000x1xf32> to vector<10000x64xf32>
    %mul3A_16 = arith.mulf %add3A_12, %mul3A : vector<10000x64xf32>
    %get3A_17 = arith.constant 0 : index
    %get3A_18 = arith.constant 0 : index
    %get3A_19 = vector.load %arg4[%get3A_17, %get3A_18] : memref<1x64xf32, #tpu.memory_space<vmem>>, vector<1x64xf32>
    %add3A_20 = vector.broadcast %get3A_19 : vector<1x64xf32> to vector<10000x64xf32>
    %add3A_21 = arith.addf %mul3A_16, %add3A_20 : vector<10000x64xf32>
    %max3A = arith.constant 0.000000e+00 : f32
    %max3A_22 = vector.broadcast %max3A : f32 to vector<10000x64xf32>
    %max3A_23 = arith.maximumf %add3A_21, %max3A_22 : vector<10000x64xf32>
    %get3A_24 = arith.constant 0 : index
    %get3A_25 = arith.constant 0 : index
    %get3A_26 = vector.load %arg3[%get3A_24, %get3A_25] : memref<64x64xf32, #tpu.memory_space<vmem>>, vector<64x64xf32>
    %dot_general3A = arith.constant dense<0.000000e+00> : vector<10000x64xf32>
    %dot_general3A_27 = tpu.matmul %max3A_23, %get3A_26, %dot_general3A {dimension_numbers = #tpu.dot_dimension_numbers<[1], [0], [0], [1], [0, 0, 1, 1], [], []>, transpose_lhs_hint = false} : vector<10000x64xf32>, vector<64x64xf32>, vector<10000x64xf32> -> vector<10000x64xf32>
    %get3A_28 = arith.constant 0 : index
    %get3A_29 = arith.constant 0 : index
    %get3A_30 = vector.load %arg2[%get3A_28, %get3A_29] : memref<10000x1xf32, #tpu.memory_space<vmem>>, vector<10000x1xf32>
    %mul3A_31 = vector.broadcast %get3A_30 : vector<10000x1xf32> to vector<10000x64xf32>
    %mul3A_32 = arith.mulf %dot_general3A_27, %mul3A_31 : vector<10000x64xf32>
    %swap3A = arith.constant 0 : index
    %swap3A_33 = arith.constant 0 : index
    %swap3A_34 = vector.load %arg5[%swap3A, %swap3A_33] : memref<10000x64xf32, #tpu.memory_space<vmem>>, vector<10000x64xf32>
    tpu.vector_store %arg5[%swap3A, %swap3A_33], %mul3A_32 {strides = array<i32>} : memref<10000x64xf32, #tpu.memory_space<vmem>>, vector<10000x64xf32>,
    return
  }
}

module attributes {stable_mosaic.version = 14 : i64} {
  func.func @_tc3_body(%arg0: memref<2x10000x64xf32, #tpu.memory_space<vmem>>, %arg1: memref<10000x64xf32, #tpu.memory_space<vmem>>, %arg2: memref<10000x1xf32, #tpu.memory_space<vmem>>, %arg3: memref<1x64xf32, #tpu.memory_space<vmem>>, %arg4: memref<64x1xf32, #tpu.memory_space<vmem>>, %arg5: memref<1x1xf32, #tpu.memory_space<vmem>>, %arg6: memref<10000x1xf32, #tpu.memory_space<vmem>>) attributes {dimension_semantics = [], scalar_prefetch = 0 : i64, scratch_operands = 0 : i64, tpu.core_type = #tpu.core_type<tc>} {
    %get3A = arith.constant 0 : index
    %get3A_0 = arith.constant 0 : index
    %get3A_1 = arith.constant 0 : index
    %get3A_2 = vector.load %arg0[%get3A, %get3A_0, %get3A_1] : memref<2x10000x64xf32, #tpu.memory_space<vmem>>, vector<1x10000x64xf32>
    %get3A_3 = vector.shape_cast %get3A_2 : vector<1x10000x64xf32> to vector<10000x64xf32>
    %get3A_4 = arith.constant 1 : index
    %get3A_5 = arith.constant 0 : index
    %get3A_6 = arith.constant 0 : index
    %get3A_7 = vector.load %arg0[%get3A_4, %get3A_5, %get3A_6] : memref<2x10000x64xf32, #tpu.memory_space<vmem>>, vector<1x10000x64xf32>
    %get3A_8 = vector.shape_cast %get3A_7 : vector<1x10000x64xf32> to vector<10000x64xf32>
    %add3A = arith.addf %get3A_3, %get3A_8 : vector<10000x64xf32>
    %get3A_9 = arith.constant 0 : index
    %get3A_10 = arith.constant 0 : index
    %get3A_11 = vector.load %arg1[%get3A_9, %get3A_10] : memref<10000x64xf32, #tpu.memory_space<vmem>>, vector<10000x64xf32>
    %add3A_12 = arith.addf %add3A, %get3A_11 : vector<10000x64xf32>
    %get3A_13 = arith.constant 0 : index
    %get3A_14 = arith.constant 0 : index
    %get3A_15 = vector.load %arg2[%get3A_13, %get3A_14] : memref<10000x1xf32, #tpu.memory_space<vmem>>, vector<10000x1xf32>
    %mul3A = vector.broadcast %get3A_15 : vector<10000x1xf32> to vector<10000x64xf32>
    %mul3A_16 = arith.mulf %add3A_12, %mul3A : vector<10000x64xf32>
    %get3A_17 = arith.constant 0 : index
    %get3A_18 = arith.constant 0 : index
    %get3A_19 = vector.load %arg3[%get3A_17, %get3A_18] : memref<1x64xf32, #tpu.memory_space<vmem>>, vector<1x64xf32>
    %add3A_20 = vector.broadcast %get3A_19 : vector<1x64xf32> to vector<10000x64xf32>
    %add3A_21 = arith.addf %mul3A_16, %add3A_20 : vector<10000x64xf32>
    %max3A = arith.constant 0.000000e+00 : f32
    %max3A_22 = vector.broadcast %max3A : f32 to vector<10000x64xf32>
    %max3A_23 = arith.maximumf %add3A_21, %max3A_22 : vector<10000x64xf32>
    %get3A_24 = arith.constant 0 : index
    %get3A_25 = arith.constant 0 : index
    %get3A_26 = vector.load %arg4[%get3A_24, %get3A_25] : memref<64x1xf32, #tpu.memory_space<vmem>>, vector<64x1xf32>
    %dot_general3A = arith.constant dense<0.000000e+00> : vector<10000x1xf32>
    %dot_general3A_27 = tpu.matmul %max3A_23, %get3A_26, %dot_general3A {dimension_numbers = #tpu.dot_dimension_numbers<[1], [0], [0], [1], [0, 0, 1, 1], [], []>, transpose_lhs_hint = false} : vector<10000x64xf32>, vector<64x1xf32>, vector<10000x1xf32> -> vector<10000x1xf32>
    %get3A_28 = arith.constant 0 : index
    %get3A_29 = arith.constant 0 : index
    %get3A_30 = vector.load %arg5[%get3A_28, %get3A_29] : memref<1x1xf32, #tpu.memory_space<vmem>>, vector<1x1xf32>
    %add3A_31 = vector.broadcast %get3A_30 : vector<1x1xf32> to vector<10000x1xf32>
    %add3A_32 = arith.addf %dot_general3A_27, %add3A_31 : vector<10000x1xf32>
    %logistic3A = arith.negf %add3A_32 : vector<10000x1xf32>
    %logistic3A_33 = math.exp %logistic3A : vector<10000x1xf32>
    %logistic3A_34 = arith.constant 1.000000e+00 : f32
    %logistic3A_35 = vector.broadcast %logistic3A_34 : f32 to vector<10000x1xf32>
    %logistic3A_36 = arith.addf %logistic3A_35, %logistic3A_33 : vector<10000x1xf32>
    %logistic3A_37 = arith.divf %logistic3A_35, %logistic3A_36 : vector<10000x1xf32>
    %swap3A = arith.constant 0 : index
    %swap3A_38 = arith.constant 0 : index
    %swap3A_39 = vector.load %arg6[%swap3A, %swap3A_38] : memref<10000x1xf32, #tpu.memory_space<vmem>>, vector<10000x1xf32>
    tpu.vector_store %arg6[%swap3A, %swap3A_38], %logistic3A_37 {strides = array<i32>} : memref<10000x1xf32, #tpu.memory_space<vmem>>, vector<10000x1xf32>,
    return
  }
}

</mosaic_0001>

<sc_bundles>
// kernel: kernel.11.cloned.1.call-start
scs
__scs_entry_jumppad:
0x0: {  	(pc) =	sbr.rel $0x88, $3  }
0x1: {  	(tag) =	ssettag $0x0;
	lr =	simm.s32 $0x1  }
0x2: {  	[smem:$0x3F99] =	sst lr;
	_ =	strace $0xD0000000  }
0x3: {  	_ = 	snop  }
0x4: {  	_ = 	snop  }
0x5: {  	_ = 	snop  }
0x6: {  	_ = 	snop  }
0x7: {  	_ = 	snop  }
__scs_overlays_trampoline_lowered:
0x8: {  	[smem:$0x3FA8] =	sst s0  }
0x9: {  	[smem:$0x3FA9] =	sst s1  }
0xa: {  	[smem:$0x3FAA] =	sst s2  }
0xb: {  	[smem:$0x3FAB] =	sst s3  }
0xc: {  	[smem:$0x3FAC] =	sst s4  }
0xd: {  	[smem:$0x3FAD] =	sst s5  }
0xe: {  	[smem:$0x3FAE] =	sst s6  }
0xf: {  	[smem:$0x3FAF] =	sst s7  }
0x10: {  	[smem:$0x3FB0] =	sst s8  }
0x11: {  	[smem:$0x3FB1] =	sst s9;
	s0 =	simm.s32 @!p0 $0x0  }
0x12: {  	s1 =	sld [smem:$0x3F97];
	s0 =	simm.s32 @p0 $0x1  }
0x13: {  	[smem:$0x3FB2] =	sst s0;
	s0 =	simm.s32 @!p1 $0x0  }
0x14: {  	s2 =	sld [smem:$0x3F96];
	s0 =	simm.s32 @p1 $0x1  }
0x15: {  	[smem:$0x3FB3] =	sst s0;
	s0 =	simm.s32 @!p2 $0x0  }
0x16: {  	s3 =	sld [smem:$0x3FDB];
	s0 =	simm.s32 @p2 $0x1  }
0x17: {  	s4 =	simm.s32 $0x1BF5;
	[smem:$0x3FB5] =	sst s0  }
0x18: {  	s0 =	sld [smem:$0x3F98];
	_ =	swait.ge [sflag:s4], $0x0  }
0x19: {  	s7 =	sld [smem:$0x3F99]  }
0x1a: {  	s8 =	sadd.s32 $0xFFFFE003, lr  }
0x1b: {  	s9 =	sadd.s32 $0xFFFFFEF7, lr;
	s5 =	simm.s32 $0xFFFFFFFF;
	p2 =	slt.u32 s8, $0xFFFFF086  }
0x1c: {  	p1 =	slt.u32 s9, $0xF7A;
	s5 =	simm.s32 @!p2 $0x0  }
0x1d: {  	s5 =	simm.s32 @p1 $0x1;
	p0 =	seq.s32 s7, s2  }
0x1e: {  	s7 =	smul.u32 @!p0 $0xF7A, s2;
	p2 =	seq.s32 @!p0 s5, $0x0  }
0x1f: {  	s9 =	smul.u32 $0xF7A, s1;
	s8 =	simm.s32 @!p0 $0x1BF5;
	p2 =	por !p2, p0  }
0x20: {  	[sflag:s8] =	ssyncset.s32 @!p0 $0xFFFFF086;
	s6 =	sadd.s32 @!p0 s3, s7;
	s7 =	simm.s32 @!p0 $0x108  }
0x21: {  	s3 =	sadd.s32 s3, s9;
	s6 =	sadd.s32 @!p0 $0x88, s6;
	s7 =	simm.s32 @p2 $0x1082  }
0x22: {  	[simem:s7], [sflag:s8] =	dma.local @!p0 [hbm:s6], $0xF7A  }
0x23: {  	s9 =	sor.u32 $0xD0000000, s2;
	s6 =	simm.s32 $0x108;
	_ =	swait.ge @!p0 [sflag:s8], $0x0  }
0x24: {  	s3 =	sadd.s32 $0x88, s3;
	s6 =	simm.s32 @!p1 $0x1082;
	[sflag:s4] =	ssyncset.s32 $0xFFFFF086  }
0x25: {  	[simem:s6], [sflag:s4] =	dma.local [hbm:s3], $0xF7A  }
0x26: {  	[smem:$0x3F99] =	sst s1;
	(tag) =	ssettag s2;
	_ =	strace s9  }
0x27: {  	s1 =	sld [smem:$0x3FA9]  }
0x28: {  	s2 =	sld [smem:$0x3FAA]  }
0x29: {  	s4 =	sld [smem:$0x3FAC]  }
0x2a: {  	p0 =	seq.s32 s5, $0x0;
	s5 =	sld [smem:$0x3FAD]  }
0x2b: {  	s6 =	sld [smem:$0x3FAE]  }
0x2c: {  	s7 =	sld [smem:$0x3FAF]  }
0x2d: {  	s3 =	simm.s32 $0x108;
	s8 =	sld [smem:$0x3FB0]  }
0x2e: {  	s3 =	simm.s32 @!p0 $0x1082;
	s9 =	sld [smem:$0x3FB1]  }
0x2f: {  	lr =	sadd.s32 s0, s3;
	s0 =	sld [smem:$0x3FA8]  }
0x30: {  	s3 =	sld [smem:$0x3FAB]  }
0x31: {  	[smem:$0x3FB4] =	sst s10  }
0x32: {  	s10 =	sld [smem:$0x3FB2];
	_ =	sdelay $0x3  }
0x33: {  	p0 =	seq.s32 s10, $0x1;
	s10 =	sld [smem:$0x3FB4];
	_ =	sdelay $0x3  }
0x34: {  	[smem:$0x3FB4] =	sst s10  }
0x35: {  	s10 =	sld [smem:$0x3FB3];
	_ =	sdelay $0x3  }
0x36: {  	p1 =	seq.s32 s10, $0x1;
	s10 =	sld [smem:$0x3FB4];
	_ =	sdelay $0x3  }
0x37: {  	[smem:$0x3FB4] =	sst s10  }
0x38: {  	s10 =	sld [smem:$0x3FB5]  }
0x39: {  	_ = 	snop;
	(pc) =	sbr.ind lr, $3  }
0x3a: {  	_ = 	snop  }
0x3b: {  	_ = 	snop  }
0x3c: {  	p2 =	seq.s32 s10, $0x1;
	s10 =	sld [smem:$0x3FB4]  }
0x3d: {  	_ =	shalt  }
0x3e: {  	_ =	shalt  }
0x3f: {  	_ =	shalt  }
0x40: {  	_ =	shalt  }
0x41: {  	_ =	shalt  }
0x42: {  	_ =	shalt  }
0x43: {  	_ =	shalt  }
0x44: {  	_ =	shalt  }
0x45: {  	_ =	shalt  }
0x46: {  	_ =	shalt  }
0x47: {  	_ =	shalt  }
0x48: {  	_ =	shalt  }
0x49: {  	_ =	shalt  }
0x4a: {  	_ =	shalt  }
0x4b: {  	_ =	shalt  }
0x4c: {  	_ =	shalt  }
0x4d: {  	_ =	shalt  }
0x4e: {  	_ =	shalt  }
0x4f: {  	_ =	shalt  }
0x50: {  	_ =	shalt  }
0x51: {  	_ =	shalt  }
0x52: {  	_ =	shalt  }
0x53: {  	_ =	shalt  }
0x54: {  	_ =	shalt  }
0x55: {  	_ =	shalt  }
0x56: {  	_ =	shalt  }
0x57: {  	_ =	shalt  }
0x58: {  	_ =	shalt  }
0x59: {  	_ =	shalt  }
0x5a: {  	_ =	shalt  }
0x5b: {  	_ =	shalt  }
0x5c: {  	_ =	shalt  }
0x5d: {  	_ =	shalt  }
0x5e: {  	_ =	shalt  }
0x5f: {  	_ =	shalt  }
0x60: {  	_ =	shalt  }
0x61: {  	_ =	shalt  }
0x62: {  	_ =	shalt  }
0x63: {  	_ =	shalt  }
0x64: {  	_ =	shalt  }
0x65: {  	_ =	shalt  }
0x66: {  	_ =	shalt  }
0x67: {  	_ =	shalt  }
0x68: {  	_ =	shalt  }
0x69: {  	_ =	shalt  }
0x6a: {  	_ =	shalt  }
0x6b: {  	_ =	shalt  }
0x6c: {  	_ =	shalt  }
0x6d: {  	_ =	shalt  }
0x6e: {  	_ =	shalt  }
0x6f: {  	_ =	shalt  }
0x70: {  	_ =	shalt  }
0x71: {  	_ =	shalt  }
0x72: {  	_ =	shalt  }
0x73: {  	_ =	shalt  }
0x74: {  	_ =	shalt  }
0x75: {  	_ =	shalt  }
0x76: {  	_ =	shalt  }
0x77: {  	_ =	shalt  }
0x78: {  	_ =	shalt  }
0x79: {  	_ =	shalt  }
0x7a: {  	_ =	shalt  }
0x7b: {  	_ =	shalt  }
0x7c: {  	_ =	shalt  }
0x7d: {  	_ =	shalt  }
0x7e: {  	_ =	shalt  }
0x7f: {  	_ =	shalt  }
0x80: {  	_ =	shalt  }
0x81: {  	_ =	shalt  }
0x82: {  	_ =	shalt  }
0x83: {  	_ =	shalt  }
0x84: {  	_ =	shalt  }
0x85: {  	_ =	shalt  }
0x86: {  	_ =	shalt  }
0x87: {  	_ =	shalt  }
.Lfunc_end0:
.L_simem_size_0:
called_computation.1_lowered:
.L_overlay_start_0:
0x88: {  	s2 =	sld [smem:$0x3FD9]  }
0x89: {  	s3 =	sld [smem:$0x3FFE];
	_ =	sdelay $0x1  }
0x8a: {  	s1 =	srdreg.scid  }
0x8b: {  	s0 =	sand.u32 $0x1, s1  }
0x8c: {  	s16 =	sshll.u32 s0, $0xA;
	s2 =	sadd.s32 s3, s2  }
0x8d: {  	s2 =	sadd.s32 s2, s16  }
0x8e: {  	[smem:$0x3FC0] =	sst s2  }
0x8f: {  	_ = 	snop  }
0x90: {  	(tm) =	ssettm $0x1  }
0x91: {  	s17 =	sld [smem:$0x3FFB];
	_ =	sdelay $0x3  }
0x92: {  	_ =	strace s17  }
0x93: {  	s2 =	sld [smem:$0x3FFC];
	_ =	sdelay $0x3  }
0x94: {  	_ =	strace s2  }
0x95: {  	s2 =	sld [smem:$0x3FFD];
	_ =	sdelay $0x3  }
0x96: {  	_ =	strace s2  }
0x97: {  	_ =	strace $0x8FFFFFFF  }
0x98: {  	s18 =	sld [smem:$0x3FDB];
	_ =	sdelay $0x1  }
0x99: {  	s19 =	simm.s32 $_scs_section_size  }
0x9a: {  	s4 =	simm.s32 $_size__tile_overlayer_lowered;
	s5 =	simm.s32 $_tile_overlayer_lowered  }
0x9b: {  	s22 =	simm.s32 $0x1BFF;
	s21 =	sshll.u32 s5, $0x1;
	s2 =	sadd.s32 s19, s18  }
0x9c: {  	s6 =	simm.s32 $0x0;
	s20 =	sshll.u32 s4, $0x1;
	s4 =	sadd.s32 s21, s2  }
0x9d: {  	[timem:s6], [sflag:s22] =	dma.local [hbm:s4], s20  }
0x9e: {  	_ =	swait.ge [sflag:s22], s20  }
0x9f: {  	s3 =	ssub.s32 $0x0, s20;
	[sflag:s22] =	ssyncset.done $0x0  }
0xa0: {  	[sflag:s22] =	ssyncadd.s32 s3;
	_ =	sdelay $0x1  }
0xa1: {  	s23 =	simm.s32 $0x1B8B  }
0xa2: {  	_ =	swait.ge [sflag:s23], $0x1  }
0xa3: {  	[sflag:s23] =	ssyncset.done $0x0  }
0xa4: {  	s25 =	simm.s32 $0x1B8E;
	s24 =	sld [smem:$0x3FFE];
	[sflag:s23] =	ssyncadd.s32 $0xFFFFFFFF  }
0xa5: {  	s26 =	simm.s32 $execute0_lowered;
	[smem:$0x3FD2] =	sst s25  }
0xa6: {  	s4 =	sshll.u32 s26, $0x1;
	_ =	strace $0x80000049;
	[dreg:$0x1] =	wrdreg $0xFFFFFFFF  }
0xa7: {  	s28 =	simm.s32 $_size_execute0_lowered;
	s2 =	sadd.s32 s2, s4;
	[dreg:$0x0] =	wrdreg $0x0  }
0xa8: {  	s4 =	sshll.u32 s28, $0x1;
	[dreg:$0x2] =	wrdreg s2  }
0xa9: {  	[dreg:$0x3] =	wrdreg s4  }
0xaa: {  	[dreg:$0x4] =	wrdreg $0xC0  }
0xab: {  	_ =	task [dreg:s6], $0x5FFFF  }
0xac: {  	[dreg:$0x1] =	wrdreg $0xFFFFFFFF  }
0xad: {  	[dreg:$0x0] =	wrdreg $0x60  }
0xae: {  	[dreg:$0x2] =	wrdreg s24  }
0xaf: {  	[dreg:$0x3] =	wrdreg $0xB2200  }
0xb0: {  	[dreg:$0x4] =	wrdreg $0x9  }
0xb1: {  	_ =	task.clear_ibuf [dreg:s6], $0x5FFFF;
	_ =	strace $0x90000049  }
0xb2: {  	s29 =	simm.s32 $0x9;
	_ =	strace $0x8000004B  }
0xb3: {  	_ =	swait.ge [sflag:s29], $0x1  }
0xb4: {  	[sflag:s29] =	ssyncadd.s32 $0xFFFFFFFF  }
0xb5: {  	_ =	strace $0x9000004B  }
0xb6: {  	_ =	sfence  }
0xb7: {  	s30 =	sld [smem:$0x0];
	_ =	sdelay $0x2  }
0xb8: {  	s31 =	sshll.u32 s1, $0xD;
	s1 =	sshrl.u32 s1, $0x2  }
0xb9: {  	s3 =	sand.u32 $0x4000, s31;
	s1 =	sadd.s32 s1, s30  }
0xba: {  	s0 =	sor.u32 s3, s0;
	s1 =	sshll.u32 s1, $0x11  }
0xbb: {  	s0 =	sor.u32 s1, s0  }
0xbc: {  	s0 =	sadd.s32 $0x8F2B, s0  }
0xbd: {  	[sflag:s0] =	ssyncadd.remote.s32 $0x1  }
0xbe: {  	_ =	sfence.sel $0xFFFF  }
0xbf: {  	[dreg:$0x0] =	wrdreg $0xFFFFFFFF;
	(pc) =	sbr.abs _section_cstart, $3  }
0xc0: {  	[dreg:$0x1] =	wrdreg $0xFFFFFFFF  }
0xc1: {  	_ =	task.clear_ibuf [dreg:s6], $0x2FFFF;
	_ =	strace $0x9FFFFFFF  }
0xc2: {  	(tm) =	ssettm $0x7FFFFFFF  }
0xc3: {  	_ =	shalt  }
tec
execute0_lowered:
.L_overlay_start_1:
0x0: {  	(tag) =	ssettag $0x1  }
0x1: {  	s0 =	srdreg.scid;
	s5 =	rddreg [dreg:$0x0]  }
0x2: {  	s11 =	stileid.u32;
	s2 =	rddreg [dreg:$0x1];
	s3 =	simm.s32 $0x0  }
0x3: {  	s12 =	simm.s32 $0x6;
	s14 =	simm.s32 $0x50;
	s15 =	simm.s32 $0x4E20  }
0x4: {  	s16 =	simm.s32 $0x6220;
	s18 =	simm.s32 $0x7620;
	s20 =	simm.s32 $0x8A20  }
0x5: {  	s22 =	simm.s32 $0x9E20;
	s23 =	simm.s32 $0x1;
	s28 =	simm.s32 $0x5  }
0x6: {  	s29 =	simm.s32 $0x4C90;
	s30 =	simm.s32 $0x4CE0;
	s31 =	simm.s32 $0x4D30  }
0x7: {  	s13 =	simm.s32 $0x0;
	s0 =	sand.u32 $0x1, s0;
	s6 =	smul.u32 $0xA000, s11  }
0x8: {  	[smem:$0x7FF] =	sst s3;
	s7 =	smul.u32 $0x1400, s11;
	s4 =	sadd.s32 $0x15600, s5  }
0x9: {  	s25 =	sshll.u32 s11, $0x6;
	s1 =	sshll.u32 s0, $0x4;
	_ =	strace $0x8000004A  }
0xa: {  	s8 =	smul.u32 $0x14000, s0;
	s0 =	ssub.s32 $0x2, s0;
	s1 =	sor.u32 s11, s1  }
0xb: {  	s9 =	sshrl.u32 s6, $0x3;
	s24 =	sshrl.u32 s0, $0x1;
	s26 =	sadd.s32 s6, s2  }
0xc: {  	s6 =	sor.u32 $0x1C06, s25;
	s25 =	simm.s32 $0x3;
	s1 =	smul.u32 $0x4E2, s1  }
0xd: {  	s9 =	sadd.s32 s9, s5;
	s7 =	sadd.s32 s7, s8;
	s0 =	ssub.s32 s0, s24  }
0xe: {  	s11 =	sshrl.u32 s26, $0x3;
	s24 =	simm.s32 $0x2;
	s26 =	simm.s32 $0x4  }
0xf: {  	s10 =	sadd.s32 s7, s5;
	s1 =	sadd.s32 s1, s5;
	s5 =	sadd.s32 $0x29000, s9  }
0x10: {  	s9 =	sadd.s32 $0x3D000, s10;
	s10 =	smax.u32 s0, $0x1;
	s0 =	simm.s32 $0x4DD0  }
0x11: {  	s7 =	sadd.s32 $0x1A00, s1;
	s8 =	sadd.s32 $0xB800, s1;
	s1 =	simm.s32 $0x4D80  }
.LBB2_1:
0x12: {  	[spmem:s11], [sflag:s6] =	dma.local [hbm:s5], $0x1400  }
0x13: {  	_ =	swait.ge [sflag:s12], $0x1400  }
0x14: {  	[sflag:s12] =	ssyncset.done $0x0  }
0x15: {  	[sflag:s12] =	ssyncadd.s32 $0xFFFFEC00  }
0x16: {  	[tilespmem:s3], [sflag:$0x6] =	stream.linear.gather [hbm4b:s7+s3], $0x2710, $0x38;
	[tilespmem:$0x15220] =	vst v63  }
0x17: {  	_ =	swait.ge [sflag:s12], $0x2710  }
0x18: {  	[sflag:s12] =	ssyncset.done $0x0  }
0x19: {  	s17 =	simm.s32 $0x2710;
	[sflag:s12] =	ssyncadd.s32 $0xFFFFD8F0  }
0x1a: {  	[tilespmem:s17], [sflag:$0x6] =	stream.linear.gather [hbm4b:s8+s3], $0x2710, $0x38;
	[tilespmem:$0x15220] =	vst v63  }
0x1b: {  	_ =	swait.ge [sflag:s12], $0x2710  }
0x1c: {  	[sflag:s12] =	ssyncset.done $0x0  }
0x1d: {  	[sflag:s12] =	ssyncadd.s32 $0xFFFFD8F0  }
0x1e: {  	[tilespmem:s15], [sflag:$0x1] =	stream.indirect.gather [hbm4b:s4+s14], $0x40, s3, s14, $0xb8;
	[tilespmem:$0x15220] =	vst v63  }
0x1f: {  	_ = 	snop  }
0x20: {  	[tilespmem:s16], [sflag:$0x2] =	stream.indirect.gather [hbm4b:s4+s14], $0x40, s14, s14, $0xb8;
	[tilespmem:$0x15220] =	vst v63  }
0x21: {  	s19 =	simm.s32 $0xA0  }
0x22: {  	[tilespmem:s18], [sflag:$0x3] =	stream.indirect.gather [hbm4b:s4+s14], $0x40, s19, s14, $0xb8;
	[tilespmem:$0x15220] =	vst v63  }
0x23: {  	s21 =	simm.s32 $0xF0  }
0x24: {  	[tilespmem:s20], [sflag:$0x4] =	stream.indirect.gather [hbm4b:s4+s14], $0x40, s21, s14, $0xb8;
	[tilespmem:$0x15220] =	vst v63  }
0x25: {  	s19 =	simm.s32 $0x140  }
0x26: {  	[tilespmem:s22], [sflag:$0x5] =	stream.indirect.gather [hbm4b:s4+s14], $0x40, s19, s14, $0xb8;
	[tilespmem:$0x15220] =	vst v63  }
0x27: {  	[bflag:$0x0] =	sbarrier.arrive $0xFFFF  }
0x28: {  	_ =	swait.ge [sflag:s23], $0x1400  }
0x29: {  	[sflag:s23] =	ssyncset.done $0x0  }
0x2a: {  	s21 =	simm.s32 $0x2710;
	[sflag:s23] =	ssyncadd.s32 $0xFFFFEC00  }
0x2b: {  	[spmem:s2] =	stream.indirect.scatter.add.f32 [tilespmem:s15], [sflag:$0x6], $0x40, s21, s14, $0xb8;
	[tilespmem:$0x15220] =	vst v63  }
0x2c: {  	_ =	swait.ge [sflag:s12], $0x1400  }
0x2d: {  	[sflag:s12] =	ssyncset.done $0x0  }
0x2e: {  	s19 =	simm.s32 $0x190;
	[sflag:s12] =	ssyncadd.s32 $0xFFFFEC00  }
0x2f: {  	[tilespmem:s15], [sflag:$0x1] =	stream.indirect.gather [hbm4b:s4+s14], $0x40, s19, s14, $0xb8;
	[tilespmem:$0x15220] =	vst v63  }
0x30: {  	_ =	swait.ge [sflag:s24], $0x1400  }
0x31: {  	[sflag:s24] =	ssyncset.done $0x0  }
0x32: {  	s21 =	simm.s32 $0x2760;
	[sflag:s24] =	ssyncadd.s32 $0xFFFFEC00  }
0x33: {  	[spmem:s2] =	stream.indirect.scatter.add.f32 [tilespmem:s16], [sflag:$0x6], $0x40, s21, s14, $0xb8;
	[tilespmem:$0x15220] =	vst v63  }
0x34: {  	_ =	swait.ge [sflag:s12], $0x1400  }
0x35: {  	[sflag:s12] =	ssyncset.done $0x0  }
0x36: {  	s19 =	simm.s32 $0x1E0;
	[sflag:s12] =	ssyncadd.s32 $0xFFFFEC00  }
0x37: {  	[tilespmem:s16], [sflag:$0x2] =	stream.indirect.gather [hbm4b:s4+s14], $0x40, s19, s14, $0xb8;
	[tilespmem:$0x15220] =	vst v63  }
0x38: {  	_ =	swait.ge [sflag:s25], $0x1400  }
0x39: {  	[sflag:s25] =	ssyncset.done $0x0  }
0x3a: {  	s21 =	simm.s32 $0x27B0;
	[sflag:s25] =	ssyncadd.s32 $0xFFFFEC00  }
0x3b: {  	[spmem:s2] =	stream.indirect.scatter.add.f32 [tilespmem:s18], [sflag:$0x6], $0x40, s21, s14, $0xb8;
	[tilespmem:$0x15220] =	vst v63  }
0x3c: {  	_ =	swait.ge [sflag:s12], $0x1400  }
0x3d: {  	[sflag:s12] =	ssyncset.done $0x0  }
0x3e: {  	s19 =	simm.s32 $0x230;
	[sflag:s12] =	ssyncadd.s32 $0xFFFFEC00  }
0x3f: {  	[tilespmem:s18], [sflag:$0x3] =	stream.indirect.gather [hbm4b:s4+s14], $0x40, s19, s14, $0xb8;
	[tilespmem:$0x15220] =	vst v63  }
0x40: {  	_ =	swait.ge [sflag:s26], $0x1400  }
0x41: {  	[sflag:s26] =	ssyncset.done $0x0  }
0x42: {  	s21 =	simm.s32 $0x2800;
	[sflag:s26] =	ssyncadd.s32 $0xFFFFEC00  }
0x43: {  	[spmem:s2] =	stream.indirect.scatter.add.f32 [tilespmem:s20], [sflag:$0x6], $0x40, s21, s14, $0xb8;
	[tilespmem:$0x15220] =	vst v63  }
0x44: {  	_ =	swait.ge [sflag:s12], $0x1400  }
0x45: {  	[sflag:s12] =	ssyncset.done $0x0  }
0x46: {  	s19 =	simm.s32 $0x280;
	[sflag:s12] =	ssyncadd.s32 $0xFFFFEC00  }
0x47: {  	[tilespmem:s20], [sflag:$0x4] =	stream.indirect.gather [hbm4b:s4+s14], $0x40, s19, s14, $0xb8;
	[tilespmem:$0x15220] =	vst v63  }
0x48: {  	_ =	swait.ge [sflag:s28], $0x1400  }
0x49: {  	[sflag:s28] =	ssyncset.done $0x0  }
0x4a: {  	s21 =	simm.s32 $0x2850;
	[sflag:s28] =	ssyncadd.s32 $0xFFFFEC00  }
0x4b: {  	[spmem:s2] =	stream.indirect.scatter.add.f32 [tilespmem:s22], [sflag:$0x6], $0x40, s21, s14, $0xb8;
	[tilespmem:$0x15220] =	vst v63  }
0x4c: {  	_ =	swait.ge [sflag:s12], $0x1400  }
0x4d: {  	[sflag:s12] =	ssyncset.done $0x0  }
0x4e: {  	s17 =	simm.s32 $0x640;
	s19 =	simm.s32 $0x2D0;
	[sflag:s12] =	ssyncadd.s32 $0xFFFFEC00  }
.LBB2_2:
0x4f: {  	[tilespmem:s22], [sflag:$0x5] =	stream.indirect.gather [hbm4b:s4+s14], $0x40, s19, s14, $0xb8;
	[tilespmem:$0x15220] =	vst v63  }
0x50: {  	s19 =	smov.u32 s17  }
0x51: {  	p0 =	sne.s32 s17, $0x8FC0;
	s17 =	sadd.s32 $0x640, s17;
	_ =	swait.ge [sflag:s23], $0x1400  }
0x52: {  	s19 =	sshra.s32 s19, $0x2;
	[sflag:s23] =	ssyncset.done $0x0  }
0x53: {  	s21 =	sadd.s32 $0x2710, s19;
	[sflag:s23] =	ssyncadd.s32 $0xFFFFEC00  }
0x54: {  	[spmem:s2] =	stream.indirect.scatter.add.f32 [tilespmem:s15], [sflag:$0x6], $0x40, s21, s14, $0xb8;
	[tilespmem:$0x15220] =	vst v63  }
0x55: {  	_ =	swait.ge [sflag:s12], $0x1400  }
0x56: {  	[sflag:s12] =	ssyncset.done $0x0  }
0x57: {  	s21 =	sadd.s32 $0x190, s19;
	[sflag:s12] =	ssyncadd.s32 $0xFFFFEC00  }
0x58: {  	[tilespmem:s15], [sflag:$0x1] =	stream.indirect.gather [hbm4b:s4+s14], $0x40, s21, s14, $0xb8;
	[tilespmem:$0x15220] =	vst v63  }
0x59: {  	_ =	swait.ge [sflag:s24], $0x1400  }
0x5a: {  	[sflag:s24] =	ssyncset.done $0x0  }
0x5b: {  	s21 =	sadd.s32 $0x2760, s19;
	[sflag:s24] =	ssyncadd.s32 $0xFFFFEC00  }
0x5c: {  	[spmem:s2] =	stream.indirect.scatter.add.f32 [tilespmem:s16], [sflag:$0x6], $0x40, s21, s14, $0xb8;
	[tilespmem:$0x15220] =	vst v63  }
0x5d: {  	_ =	swait.ge [sflag:s12], $0x1400  }
0x5e: {  	[sflag:s12] =	ssyncset.done $0x0  }
0x5f: {  	s21 =	sadd.s32 $0x1E0, s19;
	[sflag:s12] =	ssyncadd.s32 $0xFFFFEC00  }
0x60: {  	[tilespmem:s16], [sflag:$0x2] =	stream.indirect.gather [hbm4b:s4+s14], $0x40, s21, s14, $0xb8;
	[tilespmem:$0x15220] =	vst v63  }
0x61: {  	_ =	swait.ge [sflag:s25], $0x1400  }
0x62: {  	[sflag:s25] =	ssyncset.done $0x0  }
0x63: {  	s21 =	sadd.s32 $0x27B0, s19;
	[sflag:s25] =	ssyncadd.s32 $0xFFFFEC00  }
0x64: {  	[spmem:s2] =	stream.indirect.scatter.add.f32 [tilespmem:s18], [sflag:$0x6], $0x40, s21, s14, $0xb8;
	[tilespmem:$0x15220] =	vst v63  }
0x65: {  	_ =	swait.ge [sflag:s12], $0x1400  }
0x66: {  	[sflag:s12] =	ssyncset.done $0x0  }
0x67: {  	s21 =	sadd.s32 $0x230, s19;
	[sflag:s12] =	ssyncadd.s32 $0xFFFFEC00  }
0x68: {  	[tilespmem:s18], [sflag:$0x3] =	stream.indirect.gather [hbm4b:s4+s14], $0x40, s21, s14, $0xb8;
	[tilespmem:$0x15220] =	vst v63  }
0x69: {  	_ =	swait.ge [sflag:s26], $0x1400  }
0x6a: {  	[sflag:s26] =	ssyncset.done $0x0  }
0x6b: {  	s21 =	sadd.s32 $0x2800, s19;
	[sflag:s26] =	ssyncadd.s32 $0xFFFFEC00  }
0x6c: {  	[spmem:s2] =	stream.indirect.scatter.add.f32 [tilespmem:s20], [sflag:$0x6], $0x40, s21, s14, $0xb8;
	[tilespmem:$0x15220] =	vst v63  }
0x6d: {  	_ =	swait.ge [sflag:s12], $0x1400  }
0x6e: {  	[sflag:s12] =	ssyncset.done $0x0  }
0x6f: {  	s21 =	sadd.s32 $0x280, s19;
	[sflag:s12] =	ssyncadd.s32 $0xFFFFEC00  }
0x70: {  	[tilespmem:s20], [sflag:$0x4] =	stream.indirect.gather [hbm4b:s4+s14], $0x40, s21, s14, $0xb8;
	[tilespmem:$0x15220] =	vst v63  }
0x71: {  	_ =	swait.ge [sflag:s28], $0x1400  }
0x72: {  	[sflag:s28] =	ssyncset.done $0x0  }
.Ltmp0:
0x73: {  	s21 =	sadd.s32 $0x2850, s19;
	[sflag:s28] =	ssyncadd.s32 $0xFFFFEC00;
	(pc) =	sbr.rel @p0 .LBB2_2-.Ltmp0, $4  }
0x74: {  	[spmem:s2] =	stream.indirect.scatter.add.f32 [tilespmem:s22], [sflag:$0x6], $0x40, s21, s14, $0xb8;
	[tilespmem:$0x15220] =	vst v63  }
0x75: {  	_ =	swait.ge [sflag:s12], $0x1400  }
0x76: {  	[sflag:s12] =	ssyncset.done $0x0  }
0x77: {  	s19 =	sadd.s32 $0x2D0, s19;
	[sflag:s12] =	ssyncadd.s32 $0xFFFFEC00  }
0x78: {  	[tilespmem:s22], [sflag:$0x5] =	stream.indirect.gather [hbm4b:s4+s14], $0x40, s19, s14, $0xb8;
	[tilespmem:$0x15220] =	vst v63  }
0x79: {  	_ =	swait.ge [sflag:s23], $0x1400  }
0x7a: {  	[sflag:s23] =	ssyncset.done $0x0  }
0x7b: {  	[sflag:s23] =	ssyncadd.s32 $0xFFFFEC00  }
0x7c: {  	[spmem:s2] =	stream.indirect.scatter.add.f32 [tilespmem:s15], [sflag:$0x6], $0x40, s29, s14, $0xb8;
	[tilespmem:$0x15220] =	vst v63  }
0x7d: {  	_ =	swait.ge [sflag:s12], $0x1400  }
0x7e: {  	[sflag:s12] =	ssyncset.done $0x0  }
0x7f: {  	[sflag:s12] =	ssyncadd.s32 $0xFFFFEC00  }
0x80: {  	_ =	swait.ge [sflag:s24], $0x1400  }
0x81: {  	[sflag:s24] =	ssyncset.done $0x0  }
0x82: {  	[sflag:s24] =	ssyncadd.s32 $0xFFFFEC00  }
0x83: {  	[spmem:s2] =	stream.indirect.scatter.add.f32 [tilespmem:s16], [sflag:$0x6], $0x40, s30, s14, $0xb8;
	[tilespmem:$0x15220] =	vst v63  }
0x84: {  	_ =	swait.ge [sflag:s12], $0x1400  }
0x85: {  	[sflag:s12] =	ssyncset.done $0x0  }
0x86: {  	[sflag:s12] =	ssyncadd.s32 $0xFFFFEC00  }
0x87: {  	_ =	swait.ge [sflag:s25], $0x1400  }
0x88: {  	[sflag:s25] =	ssyncset.done $0x0  }
0x89: {  	[sflag:s25] =	ssyncadd.s32 $0xFFFFEC00  }
0x8a: {  	[spmem:s2] =	stream.indirect.scatter.add.f32 [tilespmem:s18], [sflag:$0x6], $0x40, s31, s14, $0xb8;
	[tilespmem:$0x15220] =	vst v63  }
0x8b: {  	_ =	swait.ge [sflag:s12], $0x1400  }
0x8c: {  	[sflag:s12] =	ssyncset.done $0x0  }
0x8d: {  	[sflag:s12] =	ssyncadd.s32 $0xFFFFEC00  }
0x8e: {  	_ =	swait.ge [sflag:s26], $0x1400  }
0x8f: {  	[sflag:s26] =	ssyncset.done $0x0  }
0x90: {  	[sflag:s26] =	ssyncadd.s32 $0xFFFFEC00  }
0x91: {  	[spmem:s2] =	stream.indirect.scatter.add.f32 [tilespmem:s20], [sflag:$0x6], $0x40, s1, s14, $0xb8;
	[tilespmem:$0x15220] =	vst v63  }
0x92: {  	_ =	swait.ge [sflag:s12], $0x1400  }
0x93: {  	[sflag:s12] =	ssyncset.done $0x0  }
0x94: {  	[sflag:s12] =	ssyncadd.s32 $0xFFFFEC00  }
0x95: {  	_ =	swait.ge [sflag:s28], $0x1400  }
0x96: {  	[sflag:s28] =	ssyncset.done $0x0  }
0x97: {  	[sflag:s28] =	ssyncadd.s32 $0xFFFFEC00  }
0x98: {  	[spmem:s2] =	stream.indirect.scatter.add.f32 [tilespmem:s22], [sflag:$0x6], $0x40, s0, s14, $0xb8;
	[tilespmem:$0x15220] =	vst v63  }
0x99: {  	_ =	swait.ge [sflag:s12], $0x1400  }
0x9a: {  	s13 =	sadd.s32 $0x1, s13;
	[sflag:s12] =	ssyncset.done $0x0  }
0x9b: {  	p0 =	sne.s32 s13, s10;
	[sflag:s12] =	ssyncadd.s32 $0xFFFFEC00  }
.Ltmp1:
0x9c: {  	[bflag:$0x0] =	sbarrier.arrive $0xFFFF;
	(pc) =	sbr.rel @p0 .LBB2_1-.Ltmp1, $4  }
0x9d: {  	[hbm:s9], [sflag:s6] =	dma.local [spmem:s11], $0x1400  }
0x9e: {  	_ =	swait.ge [sflag:s12], $0x1400  }
0x9f: {  	[sflag:s12] =	ssyncset.done $0x0  }
0xa0: {  	[sflag:s12] =	ssyncadd.s32 $0xFFFFEC00  }
0xa1: {  	_ =	sfence.sel $0x180000  }
0xa2: {  	[bflag:$0x0] =	sbarrier.arrive $0xFFFF  }
0xa3: {  	_ =	strace $0x9000004A  }
0xa4: {  	s0 =	stileid.u32;
	[bflag:$0x2] =	sbarrier.arrive $0xFFFF  }
0xa5: {  	p0 =	sne.s32 s0, $0x0;
	s0 =	rddreg [dreg:$0x2]  }
0xa6: {  	s0 =	sadd.s32 @!p0 $0x100000, s0  }
0xa7: {  	[sflag:s0] =	ssyncadd.tile.s32 @!p0 $0x1;
	_ =	shalt  }
.Lfunc_end2:
_tile_overlayer_lowered:
.L_overlay_start_2:
0xa8: {  	(tag) =	ssettag $0x2  }
0xa9: {  	s0 =	rddreg [dreg:$0x0];
	s2 =	stileid.u32  }
0xaa: {  	s1 =	rddreg [dreg:$0x1];
	p0 =	sne.s32 s2, $0x0  }
0xab: {  	s3 =	rddreg [dreg:$0x2];
	[bflag:$0x3] =	sbarrier.arrive $0xFFFF;
	s2 =	simm.s32 @!p0 $0x1C06  }
0xac: {  	[timem:s3], [sflag:s2] =	dma.local @!p0 [hbm:s0], s1  }
0xad: {  	s0 =	simm.s32 @!p0 $0x6  }
0xae: {  	_ =	swait.ge @!p0 [sflag:s0], s1  }
0xaf: {  	s1 =	ssub.s32 @!p0 $0x0, s1;
	[sflag:s0] =	ssyncset.done @!p0 $0x0  }
0xb0: {  	[sflag:s0] =	ssyncadd.s32 @!p0 s1  }
0xb1: {  	[bflag:$0x3] =	sbarrier.arrive $0xFFFF  }
0xb2: {  	_ =	shalt  }

// kernel: kernel.14.cloned.1.call-start
scs
__scs_entry_jumppad:
0x0: {  	(pc) =	sbr.rel $0x88, $3  }
0x1: {  	(tag) =	ssettag $0x0;
	lr =	simm.s32 $0x1  }
0x2: {  	[smem:$0x3F99] =	sst lr;
	_ =	strace $0xD0000000  }
0x3: {  	_ = 	snop  }
0x4: {  	_ = 	snop  }
0x5: {  	_ = 	snop  }
0x6: {  	_ = 	snop  }
0x7: {  	_ = 	snop  }
__scs_overlays_trampoline_lowered:
0x8: {  	[smem:$0x3FA8] =	sst s0  }
0x9: {  	[smem:$0x3FA9] =	sst s1  }
0xa: {  	[smem:$0x3FAA] =	sst s2  }
0xb: {  	[smem:$0x3FAB] =	sst s3  }
0xc: {  	[smem:$0x3FAC] =	sst s4  }
0xd: {  	[smem:$0x3FAD] =	sst s5  }
0xe: {  	[smem:$0x3FAE] =	sst s6  }
0xf: {  	[smem:$0x3FAF] =	sst s7  }
0x10: {  	[smem:$0x3FB0] =	sst s8  }
0x11: {  	[smem:$0x3FB1] =	sst s9;
	s0 =	simm.s32 @!p0 $0x0  }
0x12: {  	s1 =	sld [smem:$0x3F97];
	s0 =	simm.s32 @p0 $0x1  }
0x13: {  	[smem:$0x3FB2] =	sst s0;
	s0 =	simm.s32 @!p1 $0x0  }
0x14: {  	s2 =	sld [smem:$0x3F96];
	s0 =	simm.s32 @p1 $0x1  }
0x15: {  	[smem:$0x3FB3] =	sst s0;
	s0 =	simm.s32 @!p2 $0x0  }
0x16: {  	s3 =	sld [smem:$0x3FDB];
	s0 =	simm.s32 @p2 $0x1  }
0x17: {  	s4 =	simm.s32 $0x1BF5;
	[smem:$0x3FB5] =	sst s0  }
0x18: {  	s0 =	sld [smem:$0x3F98];
	_ =	swait.ge [sflag:s4], $0x0  }
0x19: {  	s7 =	sld [smem:$0x3F99]  }
0x1a: {  	s8 =	sadd.s32 $0xFFFFE003, lr  }
0x1b: {  	s9 =	sadd.s32 $0xFFFFFEF7, lr;
	s5 =	simm.s32 $0xFFFFFFFF;
	p2 =	slt.u32 s8, $0xFFFFF086  }
0x1c: {  	p1 =	slt.u32 s9, $0xF7A;
	s5 =	simm.s32 @!p2 $0x0  }
0x1d: {  	s5 =	simm.s32 @p1 $0x1;
	p0 =	seq.s32 s7, s2  }
0x1e: {  	s7 =	smul.u32 @!p0 $0xF7A, s2;
	p2 =	seq.s32 @!p0 s5, $0x0  }
0x1f: {  	s9 =	smul.u32 $0xF7A, s1;
	s8 =	simm.s32 @!p0 $0x1BF5;
	p2 =	por !p2, p0  }
0x20: {  	[sflag:s8] =	ssyncset.s32 @!p0 $0xFFFFF086;
	s6 =	sadd.s32 @!p0 s3, s7;
	s7 =	simm.s32 @!p0 $0x108  }
0x21: {  	s3 =	sadd.s32 s3, s9;
	s6 =	sadd.s32 @!p0 $0x88, s6;
	s7 =	simm.s32 @p2 $0x1082  }
0x22: {  	[simem:s7], [sflag:s8] =	dma.local @!p0 [hbm:s6], $0xF7A  }
0x23: {  	s9 =	sor.u32 $0xD0000000, s2;
	s6 =	simm.s32 $0x108;
	_ =	swait.ge @!p0 [sflag:s8], $0x0  }
0x24: {  	s3 =	sadd.s32 $0x88, s3;
	s6 =	simm.s32 @!p1 $0x1082;
	[sflag:s4] =	ssyncset.s32 $0xFFFFF086  }
0x25: {  	[simem:s6], [sflag:s4] =	dma.local [hbm:s3], $0xF7A  }
0x26: {  	[smem:$0x3F99] =	sst s1;
	(tag) =	ssettag s2;
	_ =	strace s9  }
0x27: {  	s1 =	sld [smem:$0x3FA9]  }
0x28: {  	s2 =	sld [smem:$0x3FAA]  }
0x29: {  	s4 =	sld [smem:$0x3FAC]  }
0x2a: {  	p0 =	seq.s32 s5, $0x0;
	s5 =	sld [smem:$0x3FAD]  }
0x2b: {  	s6 =	sld [smem:$0x3FAE]  }
0x2c: {  	s7 =	sld [smem:$0x3FAF]  }
0x2d: {  	s3 =	simm.s32 $0x108;
	s8 =	sld [smem:$0x3FB0]  }
0x2e: {  	s3 =	simm.s32 @!p0 $0x1082;
	s9 =	sld [smem:$0x3FB1]  }
0x2f: {  	lr =	sadd.s32 s0, s3;
	s0 =	sld [smem:$0x3FA8]  }
0x30: {  	s3 =	sld [smem:$0x3FAB]  }
0x31: {  	[smem:$0x3FB4] =	sst s10  }
0x32: {  	s10 =	sld [smem:$0x3FB2];
	_ =	sdelay $0x3  }
0x33: {  	p0 =	seq.s32 s10, $0x1;
	s10 =	sld [smem:$0x3FB4];
	_ =	sdelay $0x3  }
0x34: {  	[smem:$0x3FB4] =	sst s10  }
0x35: {  	s10 =	sld [smem:$0x3FB3];
	_ =	sdelay $0x3  }
0x36: {  	p1 =	seq.s32 s10, $0x1;
	s10 =	sld [smem:$0x3FB4];
	_ =	sdelay $0x3  }
0x37: {  	[smem:$0x3FB4] =	sst s10  }
0x38: {  	s10 =	sld [smem:$0x3FB5]  }
0x39: {  	_ = 	snop;
	(pc) =	sbr.ind lr, $3  }
0x3a: {  	_ = 	snop  }
0x3b: {  	_ = 	snop  }
0x3c: {  	p2 =	seq.s32 s10, $0x1;
	s10 =	sld [smem:$0x3FB4]  }
0x3d: {  	_ =	shalt  }
0x3e: {  	_ =	shalt  }
0x3f: {  	_ =	shalt  }
0x40: {  	_ =	shalt  }
0x41: {  	_ =	shalt  }
0x42: {  	_ =	shalt  }
0x43: {  	_ =	shalt  }
0x44: {  	_ =	shalt  }
0x45: {  	_ =	shalt  }
0x46: {  	_ =	shalt  }
0x47: {  	_ =	shalt  }
0x48: {  	_ =	shalt  }
0x49: {  	_ =	shalt  }
0x4a: {  	_ =	shalt  }
0x4b: {  	_ =	shalt  }
0x4c: {  	_ =	shalt  }
0x4d: {  	_ =	shalt  }
0x4e: {  	_ =	shalt  }
0x4f: {  	_ =	shalt  }
0x50: {  	_ =	shalt  }
0x51: {  	_ =	shalt  }
0x52: {  	_ =	shalt  }
0x53: {  	_ =	shalt  }
0x54: {  	_ =	shalt  }
0x55: {  	_ =	shalt  }
0x56: {  	_ =	shalt  }
0x57: {  	_ =	shalt  }
0x58: {  	_ =	shalt  }
0x59: {  	_ =	shalt  }
0x5a: {  	_ =	shalt  }
0x5b: {  	_ =	shalt  }
0x5c: {  	_ =	shalt  }
0x5d: {  	_ =	shalt  }
0x5e: {  	_ =	shalt  }
0x5f: {  	_ =	shalt  }
0x60: {  	_ =	shalt  }
0x61: {  	_ =	shalt  }
0x62: {  	_ =	shalt  }
0x63: {  	_ =	shalt  }
0x64: {  	_ =	shalt  }
0x65: {  	_ =	shalt  }
0x66: {  	_ =	shalt  }
0x67: {  	_ =	shalt  }
0x68: {  	_ =	shalt  }
0x69: {  	_ =	shalt  }
0x6a: {  	_ =	shalt  }
0x6b: {  	_ =	shalt  }
0x6c: {  	_ =	shalt  }
0x6d: {  	_ =	shalt  }
0x6e: {  	_ =	shalt  }
0x6f: {  	_ =	shalt  }
0x70: {  	_ =	shalt  }
0x71: {  	_ =	shalt  }
0x72: {  	_ =	shalt  }
0x73: {  	_ =	shalt  }
0x74: {  	_ =	shalt  }
0x75: {  	_ =	shalt  }
0x76: {  	_ =	shalt  }
0x77: {  	_ =	shalt  }
0x78: {  	_ =	shalt  }
0x79: {  	_ =	shalt  }
0x7a: {  	_ =	shalt  }
0x7b: {  	_ =	shalt  }
0x7c: {  	_ =	shalt  }
0x7d: {  	_ =	shalt  }
0x7e: {  	_ =	shalt  }
0x7f: {  	_ =	shalt  }
0x80: {  	_ =	shalt  }
0x81: {  	_ =	shalt  }
0x82: {  	_ =	shalt  }
0x83: {  	_ =	shalt  }
0x84: {  	_ =	shalt  }
0x85: {  	_ =	shalt  }
0x86: {  	_ =	shalt  }
0x87: {  	_ =	shalt  }
.Lfunc_end0:
.L_simem_size_0:
called_computation.2_lowered:
.L_overlay_start_0:
0x88: {  	s2 =	sld [smem:$0x3FD9]  }
0x89: {  	s3 =	sld [smem:$0x3FFE];
	_ =	sdelay $0x1  }
0x8a: {  	s1 =	srdreg.scid  }
0x8b: {  	s0 =	sand.u32 $0x1, s1  }
0x8c: {  	s16 =	sshll.u32 s0, $0xA;
	s2 =	sadd.s32 s3, s2  }
0x8d: {  	s2 =	sadd.s32 s2, s16  }
0x8e: {  	[smem:$0x3FC0] =	sst s2  }
0x8f: {  	_ = 	snop  }
0x90: {  	(tm) =	ssettm $0x1  }
0x91: {  	s17 =	sld [smem:$0x3FFB];
	_ =	sdelay $0x3  }
0x92: {  	_ =	strace s17  }
0x93: {  	s2 =	sld [smem:$0x3FFC];
	_ =	sdelay $0x3  }
0x94: {  	_ =	strace s2  }
0x95: {  	s2 =	sld [smem:$0x3FFD];
	_ =	sdelay $0x3  }
0x96: {  	_ =	strace s2  }
0x97: {  	_ =	strace $0x8FFFFFFF  }
0x98: {  	s18 =	sld [smem:$0x3FDB];
	_ =	sdelay $0x1  }
0x99: {  	s19 =	simm.s32 $_scs_section_size  }
0x9a: {  	s4 =	simm.s32 $_size__tile_overlayer_lowered;
	s5 =	simm.s32 $_tile_overlayer_lowered  }
0x9b: {  	s22 =	simm.s32 $0x1BFF;
	s21 =	sshll.u32 s5, $0x1;
	s2 =	sadd.s32 s19, s18  }
0x9c: {  	s6 =	simm.s32 $0x0;
	s20 =	sshll.u32 s4, $0x1;
	s4 =	sadd.s32 s21, s2  }
0x9d: {  	[timem:s6], [sflag:s22] =	dma.local [hbm:s4], s20  }
0x9e: {  	_ =	swait.ge [sflag:s22], s20  }
0x9f: {  	s3 =	ssub.s32 $0x0, s20;
	[sflag:s22] =	ssyncset.done $0x0  }
0xa0: {  	[sflag:s22] =	ssyncadd.s32 s3;
	_ =	sdelay $0x1  }
0xa1: {  	s23 =	simm.s32 $0x1B8B  }
0xa2: {  	_ =	swait.ge [sflag:s23], $0x1  }
0xa3: {  	[sflag:s23] =	ssyncset.done $0x0  }
0xa4: {  	s25 =	simm.s32 $0x1B8E;
	s24 =	sld [smem:$0x3FFE];
	[sflag:s23] =	ssyncadd.s32 $0xFFFFFFFF  }
0xa5: {  	s26 =	simm.s32 $execute0_lowered;
	[smem:$0x3FD2] =	sst s25  }
0xa6: {  	s4 =	sshll.u32 s26, $0x1;
	_ =	strace $0x8000004C;
	[dreg:$0x1] =	wrdreg $0xFFFFFFFF  }
0xa7: {  	s28 =	simm.s32 $_size_execute0_lowered;
	s2 =	sadd.s32 s2, s4;
	[dreg:$0x0] =	wrdreg $0x0  }
0xa8: {  	s4 =	sshll.u32 s28, $0x1;
	[dreg:$0x2] =	wrdreg s2  }
0xa9: {  	[dreg:$0x3] =	wrdreg s4  }
0xaa: {  	[dreg:$0x4] =	wrdreg $0xC0  }
0xab: {  	_ =	task [dreg:s6], $0x5FFFF  }
0xac: {  	[dreg:$0x1] =	wrdreg $0xFFFFFFFF  }
0xad: {  	[dreg:$0x0] =	wrdreg $0x60  }
0xae: {  	[dreg:$0x2] =	wrdreg s24  }
0xaf: {  	[dreg:$0x3] =	wrdreg $0xB2200  }
0xb0: {  	[dreg:$0x4] =	wrdreg $0x9  }
0xb1: {  	_ =	task.clear_ibuf [dreg:s6], $0x5FFFF;
	_ =	strace $0x9000004C  }
0xb2: {  	s29 =	simm.s32 $0x9;
	_ =	strace $0x8000004E  }
0xb3: {  	_ =	swait.ge [sflag:s29], $0x1  }
0xb4: {  	[sflag:s29] =	ssyncadd.s32 $0xFFFFFFFF  }
0xb5: {  	_ =	strace $0x9000004E  }
0xb6: {  	_ =	sfence  }
0xb7: {  	s30 =	sld [smem:$0x0];
	_ =	sdelay $0x2  }
0xb8: {  	s31 =	sshll.u32 s1, $0xD;
	s1 =	sshrl.u32 s1, $0x2  }
0xb9: {  	s3 =	sand.u32 $0x4000, s31;
	s1 =	sadd.s32 s1, s30  }
0xba: {  	s0 =	sor.u32 s3, s0;
	s1 =	sshll.u32 s1, $0x11  }
0xbb: {  	s0 =	sor.u32 s1, s0  }
0xbc: {  	s0 =	sadd.s32 $0x8F2B, s0  }
0xbd: {  	[sflag:s0] =	ssyncadd.remote.s32 $0x1  }
0xbe: {  	_ =	sfence.sel $0xFFFF  }
0xbf: {  	[dreg:$0x0] =	wrdreg $0xFFFFFFFF;
	(pc) =	sbr.abs _section_cstart, $3  }
0xc0: {  	[dreg:$0x1] =	wrdreg $0xFFFFFFFF  }
0xc1: {  	_ =	task.clear_ibuf [dreg:s6], $0x2FFFF;
	_ =	strace $0x9FFFFFFF  }
0xc2: {  	(tm) =	ssettm $0x7FFFFFFF  }
0xc3: {  	_ =	shalt  }
tec
execute0_lowered:
.L_overlay_start_1:
0x0: {  	(tag) =	ssettag $0x1  }
0x1: {  	s0 =	srdreg.scid;
	s5 =	rddreg [dreg:$0x0]  }
0x2: {  	s11 =	stileid.u32;
	s2 =	rddreg [dreg:$0x1];
	s3 =	simm.s32 $0x0  }
0x3: {  	s12 =	simm.s32 $0x6;
	s14 =	simm.s32 $0x50;
	s15 =	simm.s32 $0x4E20  }
0x4: {  	s16 =	simm.s32 $0x6220;
	s18 =	simm.s32 $0x7620;
	s20 =	simm.s32 $0x8A20  }
0x5: {  	s22 =	simm.s32 $0x9E20;
	s23 =	simm.s32 $0x1;
	s28 =	simm.s32 $0x5  }
0x6: {  	s29 =	simm.s32 $0x4C90;
	s30 =	simm.s32 $0x4CE0;
	s31 =	simm.s32 $0x4D30  }
0x7: {  	s13 =	simm.s32 $0x0;
	s0 =	sand.u32 $0x1, s0;
	s6 =	smul.u32 $0xA000, s11  }
0x8: {  	[smem:$0x7FF] =	sst s3;
	s7 =	smul.u32 $0x1400, s11;
	s4 =	sadd.s32 $0x15600, s5  }
0x9: {  	s25 =	sshll.u32 s11, $0x6;
	s1 =	sshll.u32 s0, $0x4;
	_ =	strace $0x8000004D  }
0xa: {  	s8 =	smul.u32 $0x14000, s0;
	s0 =	ssub.s32 $0x2, s0;
	s1 =	sor.u32 s11, s1  }
0xb: {  	s9 =	sshrl.u32 s6, $0x3;
	s24 =	sshrl.u32 s0, $0x1;
	s26 =	sadd.s32 s6, s2  }
0xc: {  	s6 =	sor.u32 $0x1C06, s25;
	s25 =	simm.s32 $0x3;
	s1 =	smul.u32 $0x4E2, s1  }
0xd: {  	s9 =	sadd.s32 s9, s5;
	s7 =	sadd.s32 s7, s8;
	s0 =	ssub.s32 s0, s24  }
0xe: {  	s11 =	sshrl.u32 s26, $0x3;
	s24 =	simm.s32 $0x2;
	s26 =	simm.s32 $0x4  }
0xf: {  	s10 =	sadd.s32 s7, s5;
	s1 =	sadd.s32 s1, s5;
	s5 =	sadd.s32 $0x29000, s9  }
0x10: {  	s9 =	sadd.s32 $0x3D000, s10;
	s10 =	smax.u32 s0, $0x1;
	s0 =	simm.s32 $0x4DD0  }
0x11: {  	s7 =	sadd.s32 $0x1A00, s1;
	s8 =	sadd.s32 $0xB800, s1;
	s1 =	simm.s32 $0x4D80  }
.LBB2_1:
0x12: {  	[spmem:s11], [sflag:s6] =	dma.local [hbm:s5], $0x1400  }
0x13: {  	_ =	swait.ge [sflag:s12], $0x1400  }
0x14: {  	[sflag:s12] =	ssyncset.done $0x0  }
0x15: {  	[sflag:s12] =	ssyncadd.s32 $0xFFFFEC00  }
0x16: {  	[tilespmem:s3], [sflag:$0x6] =	stream.linear.gather [hbm4b:s7+s3], $0x2710, $0x38;
	[tilespmem:$0x15220] =	vst v63  }
0x17: {  	_ =	swait.ge [sflag:s12], $0x2710  }
0x18: {  	[sflag:s12] =	ssyncset.done $0x0  }
0x19: {  	s17 =	simm.s32 $0x2710;
	[sflag:s12] =	ssyncadd.s32 $0xFFFFD8F0  }
0x1a: {  	[tilespmem:s17], [sflag:$0x6] =	stream.linear.gather [hbm4b:s8+s3], $0x2710, $0x38;
	[tilespmem:$0x15220] =	vst v63  }
0x1b: {  	_ =	swait.ge [sflag:s12], $0x2710  }
0x1c: {  	[sflag:s12] =	ssyncset.done $0x0  }
0x1d: {  	[sflag:s12] =	ssyncadd.s32 $0xFFFFD8F0  }
0x1e: {  	[tilespmem:s15], [sflag:$0x1] =	stream.indirect.gather [hbm4b:s4+s14], $0x40, s3, s14, $0xb8;
	[tilespmem:$0x15220] =	vst v63  }
0x1f: {  	_ = 	snop  }
0x20: {  	[tilespmem:s16], [sflag:$0x2] =	stream.indirect.gather [hbm4b:s4+s14], $0x40, s14, s14, $0xb8;
	[tilespmem:$0x15220] =	vst v63  }
0x21: {  	s19 =	simm.s32 $0xA0  }
0x22: {  	[tilespmem:s18], [sflag:$0x3] =	stream.indirect.gather [hbm4b:s4+s14], $0x40, s19, s14, $0xb8;
	[tilespmem:$0x15220] =	vst v63  }
0x23: {  	s21 =	simm.s32 $0xF0  }
0x24: {  	[tilespmem:s20], [sflag:$0x4] =	stream.indirect.gather [hbm4b:s4+s14], $0x40, s21, s14, $0xb8;
	[tilespmem:$0x15220] =	vst v63  }
0x25: {  	s19 =	simm.s32 $0x140  }
0x26: {  	[tilespmem:s22], [sflag:$0x5] =	stream.indirect.gather [hbm4b:s4+s14], $0x40, s19, s14, $0xb8;
	[tilespmem:$0x15220] =	vst v63  }
0x27: {  	[bflag:$0x0] =	sbarrier.arrive $0xFFFF  }
0x28: {  	_ =	swait.ge [sflag:s23], $0x1400  }
0x29: {  	[sflag:s23] =	ssyncset.done $0x0  }
0x2a: {  	s21 =	simm.s32 $0x2710;
	[sflag:s23] =	ssyncadd.s32 $0xFFFFEC00  }
0x2b: {  	[spmem:s2] =	stream.indirect.scatter.add.f32 [tilespmem:s15], [sflag:$0x6], $0x40, s21, s14, $0xb8;
	[tilespmem:$0x15220] =	vst v63  }
0x2c: {  	_ =	swait.ge [sflag:s12], $0x1400  }
0x2d: {  	[sflag:s12] =	ssyncset.done $0x0  }
0x2e: {  	s19 =	simm.s32 $0x190;
	[sflag:s12] =	ssyncadd.s32 $0xFFFFEC00  }
0x2f: {  	[tilespmem:s15], [sflag:$0x1] =	stream.indirect.gather [hbm4b:s4+s14], $0x40, s19, s14, $0xb8;
	[tilespmem:$0x15220] =	vst v63  }
0x30: {  	_ =	swait.ge [sflag:s24], $0x1400  }
0x31: {  	[sflag:s24] =	ssyncset.done $0x0  }
0x32: {  	s21 =	simm.s32 $0x2760;
	[sflag:s24] =	ssyncadd.s32 $0xFFFFEC00  }
0x33: {  	[spmem:s2] =	stream.indirect.scatter.add.f32 [tilespmem:s16], [sflag:$0x6], $0x40, s21, s14, $0xb8;
	[tilespmem:$0x15220] =	vst v63  }
0x34: {  	_ =	swait.ge [sflag:s12], $0x1400  }
0x35: {  	[sflag:s12] =	ssyncset.done $0x0  }
0x36: {  	s19 =	simm.s32 $0x1E0;
	[sflag:s12] =	ssyncadd.s32 $0xFFFFEC00  }
0x37: {  	[tilespmem:s16], [sflag:$0x2] =	stream.indirect.gather [hbm4b:s4+s14], $0x40, s19, s14, $0xb8;
	[tilespmem:$0x15220] =	vst v63  }
0x38: {  	_ =	swait.ge [sflag:s25], $0x1400  }
0x39: {  	[sflag:s25] =	ssyncset.done $0x0  }
0x3a: {  	s21 =	simm.s32 $0x27B0;
	[sflag:s25] =	ssyncadd.s32 $0xFFFFEC00  }
0x3b: {  	[spmem:s2] =	stream.indirect.scatter.add.f32 [tilespmem:s18], [sflag:$0x6], $0x40, s21, s14, $0xb8;
	[tilespmem:$0x15220] =	vst v63  }
0x3c: {  	_ =	swait.ge [sflag:s12], $0x1400  }
0x3d: {  	[sflag:s12] =	ssyncset.done $0x0  }
0x3e: {  	s19 =	simm.s32 $0x230;
	[sflag:s12] =	ssyncadd.s32 $0xFFFFEC00  }
0x3f: {  	[tilespmem:s18], [sflag:$0x3] =	stream.indirect.gather [hbm4b:s4+s14], $0x40, s19, s14, $0xb8;
	[tilespmem:$0x15220] =	vst v63  }
0x40: {  	_ =	swait.ge [sflag:s26], $0x1400  }
0x41: {  	[sflag:s26] =	ssyncset.done $0x0  }
0x42: {  	s21 =	simm.s32 $0x2800;
	[sflag:s26] =	ssyncadd.s32 $0xFFFFEC00  }
0x43: {  	[spmem:s2] =	stream.indirect.scatter.add.f32 [tilespmem:s20], [sflag:$0x6], $0x40, s21, s14, $0xb8;
	[tilespmem:$0x15220] =	vst v63  }
0x44: {  	_ =	swait.ge [sflag:s12], $0x1400  }
0x45: {  	[sflag:s12] =	ssyncset.done $0x0  }
0x46: {  	s19 =	simm.s32 $0x280;
	[sflag:s12] =	ssyncadd.s32 $0xFFFFEC00  }
0x47: {  	[tilespmem:s20], [sflag:$0x4] =	stream.indirect.gather [hbm4b:s4+s14], $0x40, s19, s14, $0xb8;
	[tilespmem:$0x15220] =	vst v63  }
0x48: {  	_ =	swait.ge [sflag:s28], $0x1400  }
0x49: {  	[sflag:s28] =	ssyncset.done $0x0  }
0x4a: {  	s21 =	simm.s32 $0x2850;
	[sflag:s28] =	ssyncadd.s32 $0xFFFFEC00  }
0x4b: {  	[spmem:s2] =	stream.indirect.scatter.add.f32 [tilespmem:s22], [sflag:$0x6], $0x40, s21, s14, $0xb8;
	[tilespmem:$0x15220] =	vst v63  }
0x4c: {  	_ =	swait.ge [sflag:s12], $0x1400  }
0x4d: {  	[sflag:s12] =	ssyncset.done $0x0  }
0x4e: {  	s17 =	simm.s32 $0x640;
	s19 =	simm.s32 $0x2D0;
	[sflag:s12] =	ssyncadd.s32 $0xFFFFEC00  }
.LBB2_2:
0x4f: {  	[tilespmem:s22], [sflag:$0x5] =	stream.indirect.gather [hbm4b:s4+s14], $0x40, s19, s14, $0xb8;
	[tilespmem:$0x15220] =	vst v63  }
0x50: {  	s19 =	smov.u32 s17  }
0x51: {  	p0 =	sne.s32 s17, $0x8FC0;
	s17 =	sadd.s32 $0x640, s17;
	_ =	swait.ge [sflag:s23], $0x1400  }
0x52: {  	s19 =	sshra.s32 s19, $0x2;
	[sflag:s23] =	ssyncset.done $0x0  }
0x53: {  	s21 =	sadd.s32 $0x2710, s19;
	[sflag:s23] =	ssyncadd.s32 $0xFFFFEC00  }
0x54: {  	[spmem:s2] =	stream.indirect.scatter.add.f32 [tilespmem:s15], [sflag:$0x6], $0x40, s21, s14, $0xb8;
	[tilespmem:$0x15220] =	vst v63  }
0x55: {  	_ =	swait.ge [sflag:s12], $0x1400  }
0x56: {  	[sflag:s12] =	ssyncset.done $0x0  }
0x57: {  	s21 =	sadd.s32 $0x190, s19;
	[sflag:s12] =	ssyncadd.s32 $0xFFFFEC00  }
0x58: {  	[tilespmem:s15], [sflag:$0x1] =	stream.indirect.gather [hbm4b:s4+s14], $0x40, s21, s14, $0xb8;
	[tilespmem:$0x15220] =	vst v63  }
0x59: {  	_ =	swait.ge [sflag:s24], $0x1400  }
0x5a: {  	[sflag:s24] =	ssyncset.done $0x0  }
0x5b: {  	s21 =	sadd.s32 $0x2760, s19;
	[sflag:s24] =	ssyncadd.s32 $0xFFFFEC00  }
0x5c: {  	[spmem:s2] =	stream.indirect.scatter.add.f32 [tilespmem:s16], [sflag:$0x6], $0x40, s21, s14, $0xb8;
	[tilespmem:$0x15220] =	vst v63  }
0x5d: {  	_ =	swait.ge [sflag:s12], $0x1400  }
0x5e: {  	[sflag:s12] =	ssyncset.done $0x0  }
0x5f: {  	s21 =	sadd.s32 $0x1E0, s19;
	[sflag:s12] =	ssyncadd.s32 $0xFFFFEC00  }
0x60: {  	[tilespmem:s16], [sflag:$0x2] =	stream.indirect.gather [hbm4b:s4+s14], $0x40, s21, s14, $0xb8;
	[tilespmem:$0x15220] =	vst v63  }
0x61: {  	_ =	swait.ge [sflag:s25], $0x1400  }
0x62: {  	[sflag:s25] =	ssyncset.done $0x0  }
0x63: {  	s21 =	sadd.s32 $0x27B0, s19;
	[sflag:s25] =	ssyncadd.s32 $0xFFFFEC00  }
0x64: {  	[spmem:s2] =	stream.indirect.scatter.add.f32 [tilespmem:s18], [sflag:$0x6], $0x40, s21, s14, $0xb8;
	[tilespmem:$0x15220] =	vst v63  }
0x65: {  	_ =	swait.ge [sflag:s12], $0x1400  }
0x66: {  	[sflag:s12] =	ssyncset.done $0x0  }
0x67: {  	s21 =	sadd.s32 $0x230, s19;
	[sflag:s12] =	ssyncadd.s32 $0xFFFFEC00  }
0x68: {  	[tilespmem:s18], [sflag:$0x3] =	stream.indirect.gather [hbm4b:s4+s14], $0x40, s21, s14, $0xb8;
	[tilespmem:$0x15220] =	vst v63  }
0x69: {  	_ =	swait.ge [sflag:s26], $0x1400  }
0x6a: {  	[sflag:s26] =	ssyncset.done $0x0  }
0x6b: {  	s21 =	sadd.s32 $0x2800, s19;
	[sflag:s26] =	ssyncadd.s32 $0xFFFFEC00  }
0x6c: {  	[spmem:s2] =	stream.indirect.scatter.add.f32 [tilespmem:s20], [sflag:$0x6], $0x40, s21, s14, $0xb8;
	[tilespmem:$0x15220] =	vst v63  }
0x6d: {  	_ =	swait.ge [sflag:s12], $0x1400  }
0x6e: {  	[sflag:s12] =	ssyncset.done $0x0  }
0x6f: {  	s21 =	sadd.s32 $0x280, s19;
	[sflag:s12] =	ssyncadd.s32 $0xFFFFEC00  }
0x70: {  	[tilespmem:s20], [sflag:$0x4] =	stream.indirect.gather [hbm4b:s4+s14], $0x40, s21, s14, $0xb8;
	[tilespmem:$0x15220] =	vst v63  }
0x71: {  	_ =	swait.ge [sflag:s28], $0x1400  }
0x72: {  	[sflag:s28] =	ssyncset.done $0x0  }
.Ltmp0:
0x73: {  	s21 =	sadd.s32 $0x2850, s19;
	[sflag:s28] =	ssyncadd.s32 $0xFFFFEC00;
	(pc) =	sbr.rel @p0 .LBB2_2-.Ltmp0, $4  }
0x74: {  	[spmem:s2] =	stream.indirect.scatter.add.f32 [tilespmem:s22], [sflag:$0x6], $0x40, s21, s14, $0xb8;
	[tilespmem:$0x15220] =	vst v63  }
0x75: {  	_ =	swait.ge [sflag:s12], $0x1400  }
0x76: {  	[sflag:s12] =	ssyncset.done $0x0  }
0x77: {  	s19 =	sadd.s32 $0x2D0, s19;
	[sflag:s12] =	ssyncadd.s32 $0xFFFFEC00  }
0x78: {  	[tilespmem:s22], [sflag:$0x5] =	stream.indirect.gather [hbm4b:s4+s14], $0x40, s19, s14, $0xb8;
	[tilespmem:$0x15220] =	vst v63  }
0x79: {  	_ =	swait.ge [sflag:s23], $0x1400  }
0x7a: {  	[sflag:s23] =	ssyncset.done $0x0  }
0x7b: {  	[sflag:s23] =	ssyncadd.s32 $0xFFFFEC00  }
0x7c: {  	[spmem:s2] =	stream.indirect.scatter.add.f32 [tilespmem:s15], [sflag:$0x6], $0x40, s29, s14, $0xb8;
	[tilespmem:$0x15220] =	vst v63  }
0x7d: {  	_ =	swait.ge [sflag:s12], $0x1400  }
0x7e: {  	[sflag:s12] =	ssyncset.done $0x0  }
0x7f: {  	[sflag:s12] =	ssyncadd.s32 $0xFFFFEC00  }
0x80: {  	_ =	swait.ge [sflag:s24], $0x1400  }
0x81: {  	[sflag:s24] =	ssyncset.done $0x0  }
0x82: {  	[sflag:s24] =	ssyncadd.s32 $0xFFFFEC00  }
0x83: {  	[spmem:s2] =	stream.indirect.scatter.add.f32 [tilespmem:s16], [sflag:$0x6], $0x40, s30, s14, $0xb8;
	[tilespmem:$0x15220] =	vst v63  }
0x84: {  	_ =	swait.ge [sflag:s12], $0x1400  }
0x85: {  	[sflag:s12] =	ssyncset.done $0x0  }
0x86: {  	[sflag:s12] =	ssyncadd.s32 $0xFFFFEC00  }
0x87: {  	_ =	swait.ge [sflag:s25], $0x1400  }
0x88: {  	[sflag:s25] =	ssyncset.done $0x0  }
0x89: {  	[sflag:s25] =	ssyncadd.s32 $0xFFFFEC00  }
0x8a: {  	[spmem:s2] =	stream.indirect.scatter.add.f32 [tilespmem:s18], [sflag:$0x6], $0x40, s31, s14, $0xb8;
	[tilespmem:$0x15220] =	vst v63  }
0x8b: {  	_ =	swait.ge [sflag:s12], $0x1400  }
0x8c: {  	[sflag:s12] =	ssyncset.done $0x0  }
0x8d: {  	[sflag:s12] =	ssyncadd.s32 $0xFFFFEC00  }
0x8e: {  	_ =	swait.ge [sflag:s26], $0x1400  }
0x8f: {  	[sflag:s26] =	ssyncset.done $0x0  }
0x90: {  	[sflag:s26] =	ssyncadd.s32 $0xFFFFEC00  }
0x91: {  	[spmem:s2] =	stream.indirect.scatter.add.f32 [tilespmem:s20], [sflag:$0x6], $0x40, s1, s14, $0xb8;
	[tilespmem:$0x15220] =	vst v63  }
0x92: {  	_ =	swait.ge [sflag:s12], $0x1400  }
0x93: {  	[sflag:s12] =	ssyncset.done $0x0  }
0x94: {  	[sflag:s12] =	ssyncadd.s32 $0xFFFFEC00  }
0x95: {  	_ =	swait.ge [sflag:s28], $0x1400  }
0x96: {  	[sflag:s28] =	ssyncset.done $0x0  }
0x97: {  	[sflag:s28] =	ssyncadd.s32 $0xFFFFEC00  }
0x98: {  	[spmem:s2] =	stream.indirect.scatter.add.f32 [tilespmem:s22], [sflag:$0x6], $0x40, s0, s14, $0xb8;
	[tilespmem:$0x15220] =	vst v63  }
0x99: {  	_ =	swait.ge [sflag:s12], $0x1400  }
0x9a: {  	s13 =	sadd.s32 $0x1, s13;
	[sflag:s12] =	ssyncset.done $0x0  }
0x9b: {  	p0 =	sne.s32 s13, s10;
	[sflag:s12] =	ssyncadd.s32 $0xFFFFEC00  }
.Ltmp1:
0x9c: {  	[bflag:$0x0] =	sbarrier.arrive $0xFFFF;
	(pc) =	sbr.rel @p0 .LBB2_1-.Ltmp1, $4  }
0x9d: {  	[hbm:s9], [sflag:s6] =	dma.local [spmem:s11], $0x1400  }
0x9e: {  	_ =	swait.ge [sflag:s12], $0x1400  }
0x9f: {  	[sflag:s12] =	ssyncset.done $0x0  }
0xa0: {  	[sflag:s12] =	ssyncadd.s32 $0xFFFFEC00  }
0xa1: {  	_ =	sfence.sel $0x180000  }
0xa2: {  	[bflag:$0x0] =	sbarrier.arrive $0xFFFF  }
0xa3: {  	_ =	strace $0x9000004D  }
0xa4: {  	s0 =	stileid.u32;
	[bflag:$0x2] =	sbarrier.arrive $0xFFFF  }
0xa5: {  	p0 =	sne.s32 s0, $0x0;
	s0 =	rddreg [dreg:$0x2]  }
0xa6: {  	s0 =	sadd.s32 @!p0 $0x100000, s0  }
0xa7: {  	[sflag:s0] =	ssyncadd.tile.s32 @!p0 $0x1;
	_ =	shalt  }
.Lfunc_end2:
_tile_overlayer_lowered:
.L_overlay_start_2:
0xa8: {  	(tag) =	ssettag $0x2  }
0xa9: {  	s0 =	rddreg [dreg:$0x0];
	s2 =	stileid.u32  }
0xaa: {  	s1 =	rddreg [dreg:$0x1];
	p0 =	sne.s32 s2, $0x0  }
0xab: {  	s3 =	rddreg [dreg:$0x2];
	[bflag:$0x3] =	sbarrier.arrive $0xFFFF;
	s2 =	simm.s32 @!p0 $0x1C06  }
0xac: {  	[timem:s3], [sflag:s2] =	dma.local @!p0 [hbm:s0], s1  }
0xad: {  	s0 =	simm.s32 @!p0 $0x6  }
0xae: {  	_ =	swait.ge @!p0 [sflag:s0], s1  }
0xaf: {  	s1 =	ssub.s32 @!p0 $0x0, s1;
	[sflag:s0] =	ssyncset.done @!p0 $0x0  }
0xb0: {  	[sflag:s0] =	ssyncadd.s32 @!p0 s1  }
0xb1: {  	[bflag:$0x3] =	sbarrier.arrive $0xFFFF  }
0xb2: {  	_ =	shalt  }

// kernel: kernel.8.cloned.1.call-start
scs
__scs_entry_jumppad:
0x0: {  	(pc) =	sbr.rel $0x88, $3  }
0x1: {  	(tag) =	ssettag $0x0;
	lr =	simm.s32 $0x1  }
0x2: {  	[smem:$0x3F99] =	sst lr;
	_ =	strace $0xD0000000  }
0x3: {  	_ = 	snop  }
0x4: {  	_ = 	snop  }
0x5: {  	_ = 	snop  }
0x6: {  	_ = 	snop  }
0x7: {  	_ = 	snop  }
__scs_overlays_trampoline_lowered:
0x8: {  	[smem:$0x3FA8] =	sst s0  }
0x9: {  	[smem:$0x3FA9] =	sst s1  }
0xa: {  	[smem:$0x3FAA] =	sst s2  }
0xb: {  	[smem:$0x3FAB] =	sst s3  }
0xc: {  	[smem:$0x3FAC] =	sst s4  }
0xd: {  	[smem:$0x3FAD] =	sst s5  }
0xe: {  	[smem:$0x3FAE] =	sst s6  }
0xf: {  	[smem:$0x3FAF] =	sst s7  }
0x10: {  	[smem:$0x3FB0] =	sst s8  }
0x11: {  	[smem:$0x3FB1] =	sst s9;
	s0 =	simm.s32 @!p0 $0x0  }
0x12: {  	s1 =	sld [smem:$0x3F97];
	s0 =	simm.s32 @p0 $0x1  }
0x13: {  	[smem:$0x3FB2] =	sst s0;
	s0 =	simm.s32 @!p1 $0x0  }
0x14: {  	s2 =	sld [smem:$0x3F96];
	s0 =	simm.s32 @p1 $0x1  }
0x15: {  	[smem:$0x3FB3] =	sst s0;
	s0 =	simm.s32 @!p2 $0x0  }
0x16: {  	s3 =	sld [smem:$0x3FDB];
	s0 =	simm.s32 @p2 $0x1  }
0x17: {  	s4 =	simm.s32 $0x1BF5;
	[smem:$0x3FB5] =	sst s0  }
0x18: {  	s0 =	sld [smem:$0x3F98];
	_ =	swait.ge [sflag:s4], $0x0  }
0x19: {  	s7 =	sld [smem:$0x3F99]  }
0x1a: {  	s8 =	sadd.s32 $0xFFFFE003, lr  }
0x1b: {  	s9 =	sadd.s32 $0xFFFFFEF7, lr;
	s5 =	simm.s32 $0xFFFFFFFF;
	p2 =	slt.u32 s8, $0xFFFFF086  }
0x1c: {  	p1 =	slt.u32 s9, $0xF7A;
	s5 =	simm.s32 @!p2 $0x0  }
0x1d: {  	s5 =	simm.s32 @p1 $0x1;
	p0 =	seq.s32 s7, s2  }
0x1e: {  	s7 =	smul.u32 @!p0 $0xF7A, s2;
	p2 =	seq.s32 @!p0 s5, $0x0  }
0x1f: {  	s9 =	smul.u32 $0xF7A, s1;
	s8 =	simm.s32 @!p0 $0x1BF5;
	p2 =	por !p2, p0  }
0x20: {  	[sflag:s8] =	ssyncset.s32 @!p0 $0xFFFFF086;
	s6 =	sadd.s32 @!p0 s3, s7;
	s7 =	simm.s32 @!p0 $0x108  }
0x21: {  	s3 =	sadd.s32 s3, s9;
	s6 =	sadd.s32 @!p0 $0x88, s6;
	s7 =	simm.s32 @p2 $0x1082  }
0x22: {  	[simem:s7], [sflag:s8] =	dma.local @!p0 [hbm:s6], $0xF7A  }
0x23: {  	s9 =	sor.u32 $0xD0000000, s2;
	s6 =	simm.s32 $0x108;
	_ =	swait.ge @!p0 [sflag:s8], $0x0  }
0x24: {  	s3 =	sadd.s32 $0x88, s3;
	s6 =	simm.s32 @!p1 $0x1082;
	[sflag:s4] =	ssyncset.s32 $0xFFFFF086  }
0x25: {  	[simem:s6], [sflag:s4] =	dma.local [hbm:s3], $0xF7A  }
0x26: {  	[smem:$0x3F99] =	sst s1;
	(tag) =	ssettag s2;
	_ =	strace s9  }
0x27: {  	s1 =	sld [smem:$0x3FA9]  }
0x28: {  	s2 =	sld [smem:$0x3FAA]  }
0x29: {  	s4 =	sld [smem:$0x3FAC]  }
0x2a: {  	p0 =	seq.s32 s5, $0x0;
	s5 =	sld [smem:$0x3FAD]  }
0x2b: {  	s6 =	sld [smem:$0x3FAE]  }
0x2c: {  	s7 =	sld [smem:$0x3FAF]  }
0x2d: {  	s3 =	simm.s32 $0x108;
	s8 =	sld [smem:$0x3FB0]  }
0x2e: {  	s3 =	simm.s32 @!p0 $0x1082;
	s9 =	sld [smem:$0x3FB1]  }
0x2f: {  	lr =	sadd.s32 s0, s3;
	s0 =	sld [smem:$0x3FA8]  }
0x30: {  	s3 =	sld [smem:$0x3FAB]  }
0x31: {  	[smem:$0x3FB4] =	sst s10  }
0x32: {  	s10 =	sld [smem:$0x3FB2];
	_ =	sdelay $0x3  }
0x33: {  	p0 =	seq.s32 s10, $0x1;
	s10 =	sld [smem:$0x3FB4];
	_ =	sdelay $0x3  }
0x34: {  	[smem:$0x3FB4] =	sst s10  }
0x35: {  	s10 =	sld [smem:$0x3FB3];
	_ =	sdelay $0x3  }
0x36: {  	p1 =	seq.s32 s10, $0x1;
	s10 =	sld [smem:$0x3FB4];
	_ =	sdelay $0x3  }
0x37: {  	[smem:$0x3FB4] =	sst s10  }
0x38: {  	s10 =	sld [smem:$0x3FB5]  }
0x39: {  	_ = 	snop;
	(pc) =	sbr.ind lr, $3  }
0x3a: {  	_ = 	snop  }
0x3b: {  	_ = 	snop  }
0x3c: {  	p2 =	seq.s32 s10, $0x1;
	s10 =	sld [smem:$0x3FB4]  }
0x3d: {  	_ =	shalt  }
0x3e: {  	_ =	shalt  }
0x3f: {  	_ =	shalt  }
0x40: {  	_ =	shalt  }
0x41: {  	_ =	shalt  }
0x42: {  	_ =	shalt  }
0x43: {  	_ =	shalt  }
0x44: {  	_ =	shalt  }
0x45: {  	_ =	shalt  }
0x46: {  	_ =	shalt  }
0x47: {  	_ =	shalt  }
0x48: {  	_ =	shalt  }
0x49: {  	_ =	shalt  }
0x4a: {  	_ =	shalt  }
0x4b: {  	_ =	shalt  }
0x4c: {  	_ =	shalt  }
0x4d: {  	_ =	shalt  }
0x4e: {  	_ =	shalt  }
0x4f: {  	_ =	shalt  }
0x50: {  	_ =	shalt  }
0x51: {  	_ =	shalt  }
0x52: {  	_ =	shalt  }
0x53: {  	_ =	shalt  }
0x54: {  	_ =	shalt  }
0x55: {  	_ =	shalt  }
0x56: {  	_ =	shalt  }
0x57: {  	_ =	shalt  }
0x58: {  	_ =	shalt  }
0x59: {  	_ =	shalt  }
0x5a: {  	_ =	shalt  }
0x5b: {  	_ =	shalt  }
0x5c: {  	_ =	shalt  }
0x5d: {  	_ =	shalt  }
0x5e: {  	_ =	shalt  }
0x5f: {  	_ =	shalt  }
0x60: {  	_ =	shalt  }
0x61: {  	_ =	shalt  }
0x62: {  	_ =	shalt  }
0x63: {  	_ =	shalt  }
0x64: {  	_ =	shalt  }
0x65: {  	_ =	shalt  }
0x66: {  	_ =	shalt  }
0x67: {  	_ =	shalt  }
0x68: {  	_ =	shalt  }
0x69: {  	_ =	shalt  }
0x6a: {  	_ =	shalt  }
0x6b: {  	_ =	shalt  }
0x6c: {  	_ =	shalt  }
0x6d: {  	_ =	shalt  }
0x6e: {  	_ =	shalt  }
0x6f: {  	_ =	shalt  }
0x70: {  	_ =	shalt  }
0x71: {  	_ =	shalt  }
0x72: {  	_ =	shalt  }
0x73: {  	_ =	shalt  }
0x74: {  	_ =	shalt  }
0x75: {  	_ =	shalt  }
0x76: {  	_ =	shalt  }
0x77: {  	_ =	shalt  }
0x78: {  	_ =	shalt  }
0x79: {  	_ =	shalt  }
0x7a: {  	_ =	shalt  }
0x7b: {  	_ =	shalt  }
0x7c: {  	_ =	shalt  }
0x7d: {  	_ =	shalt  }
0x7e: {  	_ =	shalt  }
0x7f: {  	_ =	shalt  }
0x80: {  	_ =	shalt  }
0x81: {  	_ =	shalt  }
0x82: {  	_ =	shalt  }
0x83: {  	_ =	shalt  }
0x84: {  	_ =	shalt  }
0x85: {  	_ =	shalt  }
0x86: {  	_ =	shalt  }
0x87: {  	_ =	shalt  }
.Lfunc_end0:
.L_simem_size_0:
called_computation_lowered:
.L_overlay_start_0:
0x88: {  	s2 =	sld [smem:$0x3FD9]  }
0x89: {  	s3 =	sld [smem:$0x3FFE];
	_ =	sdelay $0x1  }
0x8a: {  	s1 =	srdreg.scid  }
0x8b: {  	s0 =	sand.u32 $0x1, s1  }
0x8c: {  	s16 =	sshll.u32 s0, $0xA;
	s2 =	sadd.s32 s3, s2  }
0x8d: {  	s2 =	sadd.s32 s2, s16  }
0x8e: {  	[smem:$0x3FC0] =	sst s2  }
0x8f: {  	_ = 	snop  }
0x90: {  	(tm) =	ssettm $0x1  }
0x91: {  	s17 =	sld [smem:$0x3FFB];
	_ =	sdelay $0x3  }
0x92: {  	_ =	strace s17  }
0x93: {  	s2 =	sld [smem:$0x3FFC];
	_ =	sdelay $0x3  }
0x94: {  	_ =	strace s2  }
0x95: {  	s2 =	sld [smem:$0x3FFD];
	_ =	sdelay $0x3  }
0x96: {  	_ =	strace s2  }
0x97: {  	_ =	strace $0x8FFFFFFF  }
0x98: {  	s18 =	sld [smem:$0x3FDB];
	_ =	sdelay $0x1  }
0x99: {  	s19 =	simm.s32 $_scs_section_size  }
0x9a: {  	s4 =	simm.s32 $_size__tile_overlayer_lowered;
	s5 =	simm.s32 $_tile_overlayer_lowered  }
0x9b: {  	s22 =	simm.s32 $0x1BFF;
	s21 =	sshll.u32 s5, $0x1;
	s2 =	sadd.s32 s19, s18  }
0x9c: {  	s6 =	simm.s32 $0x0;
	s20 =	sshll.u32 s4, $0x1;
	s4 =	sadd.s32 s21, s2  }
0x9d: {  	[timem:s6], [sflag:s22] =	dma.local [hbm:s4], s20  }
0x9e: {  	_ =	swait.ge [sflag:s22], s20  }
0x9f: {  	s3 =	ssub.s32 $0x0, s20;
	[sflag:s22] =	ssyncset.done $0x0  }
0xa0: {  	[sflag:s22] =	ssyncadd.s32 s3;
	_ =	sdelay $0x1  }
0xa1: {  	s23 =	simm.s32 $0x1B8B  }
0xa2: {  	_ =	swait.ge [sflag:s23], $0x1  }
0xa3: {  	[sflag:s23] =	ssyncset.done $0x0  }
0xa4: {  	s25 =	simm.s32 $0x1B8E;
	s24 =	sld [smem:$0x3FFE];
	[sflag:s23] =	ssyncadd.s32 $0xFFFFFFFF  }
0xa5: {  	s26 =	simm.s32 $execute0_lowered;
	[smem:$0x3FD2] =	sst s25  }
0xa6: {  	s4 =	sshll.u32 s26, $0x1;
	_ =	strace $0x80000046;
	[dreg:$0x1] =	wrdreg $0xFFFFFFFF  }
0xa7: {  	s28 =	simm.s32 $_size_execute0_lowered;
	s2 =	sadd.s32 s2, s4;
	[dreg:$0x0] =	wrdreg $0x0  }
0xa8: {  	s4 =	sshll.u32 s28, $0x1;
	[dreg:$0x2] =	wrdreg s2  }
0xa9: {  	[dreg:$0x3] =	wrdreg s4  }
0xaa: {  	[dreg:$0x4] =	wrdreg $0xC0  }
0xab: {  	_ =	task [dreg:s6], $0x5FFFF  }
0xac: {  	[dreg:$0x1] =	wrdreg $0xFFFFFFFF  }
0xad: {  	[dreg:$0x0] =	wrdreg $0x60  }
0xae: {  	[dreg:$0x2] =	wrdreg s24  }
0xaf: {  	[dreg:$0x3] =	wrdreg $0x40800  }
0xb0: {  	[dreg:$0x4] =	wrdreg $0x9  }
0xb1: {  	_ =	task.clear_ibuf [dreg:s6], $0x5FFFF;
	_ =	strace $0x90000046  }
0xb2: {  	s29 =	simm.s32 $0x9;
	_ =	strace $0x80000048  }
0xb3: {  	_ =	swait.ge [sflag:s29], $0x1  }
0xb4: {  	[sflag:s29] =	ssyncadd.s32 $0xFFFFFFFF  }
0xb5: {  	_ =	strace $0x90000048  }
0xb6: {  	_ =	sfence  }
0xb7: {  	s30 =	sld [smem:$0x0];
	_ =	sdelay $0x2  }
0xb8: {  	s31 =	sshll.u32 s1, $0xD;
	s1 =	sshrl.u32 s1, $0x2  }
0xb9: {  	s3 =	sand.u32 $0x4000, s31;
	s1 =	sadd.s32 s1, s30  }
0xba: {  	s0 =	sor.u32 s3, s0;
	s1 =	sshll.u32 s1, $0x11  }
0xbb: {  	s0 =	sor.u32 s1, s0  }
0xbc: {  	s0 =	sadd.s32 $0x8F2B, s0  }
0xbd: {  	[sflag:s0] =	ssyncadd.remote.s32 $0x1  }
0xbe: {  	_ =	sfence.sel $0xFFFF  }
0xbf: {  	[dreg:$0x0] =	wrdreg $0xFFFFFFFF;
	(pc) =	sbr.abs _section_cstart, $3  }
0xc0: {  	[dreg:$0x1] =	wrdreg $0xFFFFFFFF  }
0xc1: {  	_ =	task.clear_ibuf [dreg:s6], $0x2FFFF;
	_ =	strace $0x9FFFFFFF  }
0xc2: {  	(tm) =	ssettm $0x7FFFFFFF  }
0xc3: {  	_ =	shalt  }
tec
execute0_lowered:
.L_overlay_start_1:
0x0: {  	(tag) =	ssettag $0x1  }
0x1: {  	s4 =	rddreg [dreg:$0x0]  }
0x2: {  	s1 =	rddreg [dreg:$0x1]  }
0x3: {  	s0 =	rddreg [dreg:$0x2];
	s2 =	simm.s32 $0x0;
	s7 =	stileid.u32  }
0x4: {  	s5 =	srdreg.scid;
	s11 =	simm.s32 $0x1;
	s12 =	simm.s32 $0x0  }
0x5: {  	[smem:$0x7FF] =	sst s2;
	s3 =	sshll.u32 s7, $0xB;
	s31 =	sand.u32 $0x1, s5  }
0x6: {  	p0 =	sne.s32 s7, $0x0;
	_ =	strace $0x80000047;
	s6 =	sadd.s32 s3, s4  }
0x7: {  	s5 =	smul.u32 $0x500, s31;
	s8 =	ssub.s32 $0x2, s31;
	s9 =	sshll.u32 s31, $0xF  }
0x8: {  	s3 =	sadd.s32 $0x25600, s4;
	s7 =	sshrl.u32 @!p0 s1, $0x3;
	s10 =	sshrl.u32 s8, $0x1  }
0x9: {  	s6 =	sadd.s32 s9, s6;
	s9 =	simm.s32 $0x50;
	s5 =	sadd.s32 s5, s4  }
0xa: {  	s8 =	ssub.s32 s8, s10;
	s4 =	sadd.s32 $0x15600, s6;
	s10 =	simm.s32 $0x4000  }
0xb: {  	v0 =	vimm.f32 $1.000000000e+00;
	s5 =	sadd.s32 $0x25C00, s5;
	s6 =	smax.u32 s8, $0x1;
	s8 =	simm.s32 $0x2  }
.LBB2_1:
0xc: {  	s13 =	simm.s32 @!p0 $0x1C02  }
0xd: {  	[spmem:s7], [sflag:s13] =	dma.local @!p0 [hbm:s3], $0x500  }
0xe: {  	s13 =	simm.s32 @!p0 $0x2  }
0xf: {  	_ =	swait.ge @!p0 [sflag:s13], $0x500  }
0x10: {  	[sflag:s13] =	ssyncset.done @!p0 $0x0  }
0x11: {  	[sflag:s13] =	ssyncadd.s32 @!p0 $0xFFFFFB00  }
0x12: {  	[tilespmem:$0x4000] =	vst v0  }
0x13: {  	[tilespmem:$0x4010] =	vst v0  }
0x14: {  	[tilespmem:$0x4020] =	vst v0  }
0x15: {  	[tilespmem:$0x4030] =	vst v0  }
0x16: {  	[tilespmem:$0x4040] =	vst v0  }
0x17: {  	[tilespmem:s2], [sflag:$0x2] =	stream.linear.gather [hbm4b:s4+s2], $0x3E80, $0x38;
	[tilespmem:$0x4300] =	vst v63  }
0x18: {  	_ =	swait.ge [sflag:s8], $0x3E80  }
0x19: {  	[sflag:s8] =	ssyncset.done $0x0  }
0x1a: {  	[sflag:s8] =	ssyncadd.s32 $0xFFFFC180  }
0x1b: {  	s13 =	simm.s32 $0x0;
	[bflag:$0x0] =	sbarrier.arrive $0xFFFF  }
.LBB2_2:
0x1c: {  	p1 =	sne.s32 s13, $0xF800  }
.Ltmp0:
0x1d: {  	_ = 	snop;
	(pc) =	sbr.rel @p1 .LBB2_2-.Ltmp0, $3  }
0x1e: {  	_ =	sdelay $0x1  }
0x1f: {  	s14 =	sshra.s32 s13, $0x2;
	s13 =	sadd.s32 $0x200, s13  }
0x20: {  	[spmem:s1] =	stream.indirect.scatter.add.f32 [tilespmem:s10], [sflag:$0x1], $0x1, s14, s9, $0xb8;
	[tilespmem:$0x4300] =	vst v63  }
0x21: {  	_ =	swait.ge [sflag:s11], $0x50  }
0x22: {  	s13 =	simm.s32 $0x7C;
	[sflag:s11] =	ssyncset.done $0x0  }
.LBB2_4:
0x23: {  	p1 =	sne.s32 s13, $0x1;
	s13 =	sadd.s32 $0xFFFFFFFF, s13;
	[sflag:s11] =	ssyncadd.s32 $0xFFFFFFB0  }
.Ltmp1:
0x24: {  	(pc) =	sbr.rel @p1 .LBB2_4-.Ltmp1, $3  }
0x25: {  	_ =	sdelay $0x1  }
0x26: {  	_ =	swait.ge [sflag:s11], $0x50  }
0x27: {  	[sflag:s11] =	ssyncset.done $0x0  }
0x28: {  	[sflag:s11] =	ssyncadd.s32 $0xFFFFFFB0;
	s12 =	sadd.s32 $0x1, s12  }
0x29: {  	s13 =	simm.s32 @!p0 $0x1C02;
	[bflag:$0x0] =	sbarrier.arrive $0xFFFF;
	p1 =	sne.s32 s12, s6  }
0x2a: {  	[hbm:s5], [sflag:s13] =	dma.local @!p0 [spmem:s7], $0x500  }
.Ltmp2:
0x2b: {  	_ = 	snop;
	(pc) =	sbr.rel @p1 .LBB2_1-.Ltmp2, $4  }
0x2c: {  	s13 =	simm.s32 @!p0 $0x2  }
0x2d: {  	_ =	swait.ge @!p0 [sflag:s13], $0x500  }
0x2e: {  	[sflag:s13] =	ssyncset.done @!p0 $0x0  }
0x2f: {  	[sflag:s13] =	ssyncadd.s32 @!p0 $0xFFFFFB00  }
0x30: {  	_ =	sfence.sel $0x180000  }
0x31: {  	[bflag:$0x0] =	sbarrier.arrive $0xFFFF  }
0x32: {  	_ =	strace $0x90000047  }
0x33: {  	s0 =	sadd.s32 @!p0 $0x100000, s0;
	[bflag:$0x2] =	sbarrier.arrive $0xFFFF  }
0x34: {  	[sflag:s0] =	ssyncadd.tile.s32 @!p0 $0x1;
	_ =	shalt  }
.Lfunc_end2:
_tile_overlayer_lowered:
.L_overlay_start_2:
0x35: {  	(tag) =	ssettag $0x2  }
0x36: {  	s0 =	rddreg [dreg:$0x0];
	s2 =	stileid.u32  }
0x37: {  	s1 =	rddreg [dreg:$0x1];
	p0 =	sne.s32 s2, $0x0  }
0x38: {  	s3 =	rddreg [dreg:$0x2];
	[bflag:$0x3] =	sbarrier.arrive $0xFFFF;
	s2 =	simm.s32 @!p0 $0x1C02  }
0x39: {  	[timem:s3], [sflag:s2] =	dma.local @!p0 [hbm:s0], s1  }
0x3a: {  	s0 =	simm.s32 @!p0 $0x2  }
0x3b: {  	_ =	swait.ge @!p0 [sflag:s0], s1  }
0x3c: {  	s1 =	ssub.s32 @!p0 $0x0, s1;
	[sflag:s0] =	ssyncset.done @!p0 $0x0  }
0x3d: {  	[sflag:s0] =	ssyncadd.s32 @!p0 s1  }
0x3e: {  	[bflag:$0x3] =	sbarrier.arrive $0xFFFF  }
0x3f: {  	_ =	shalt  }

</sc_bundles>
